<compile_context>
chip_gen: v7x
topology: tpu7x:2x2x1
jax: 0.10.2.dev20260603
libtpu: 0.0.44.dev20260713+nightly
codegen_flags: <defaults>
</compile_context>

<pallas_src>
import jax
import jax.numpy as jnp
from jax import lax
from jax.experimental import pallas as pl
from jax.experimental.pallas import tpu as pltpu
from jax.experimental.pallas import tpu_sc as plsc

N = 10000
E = 160000
D = 256
DH = 128
NC = 2
NS = 16
B = 128
K = 80
KH = 40
EP = NS * K * B
NP = N + 128


def _sc_feat_body(xt, srcs, dsts, zacc, s2, acc_sh, src_v, dst_v, buf0, buf1,
                  sg0, sg1, sem_s):
    c = lax.axis_index("c")
    s = lax.axis_index("s")

    @pl.when(s == 0)
    def _():
        pltpu.sync_copy(zacc, acc_sh)

    plsc.subcore_barrier()

    def gather(j, buf, sem):
        pltpu.async_copy(xt.at[c].at[src_v.at[j]], buf, sem)

    def gwait(buf, sem):
        pltpu.make_async_copy(xt.at[c, pl.ds(0, B)], buf, sem).wait()

    def scat(j, buf):
        pltpu.async_copy(buf, acc_sh.at[dst_v.at[j]], sem_s, add=True).wait()

    for h in range(K // KH):
        pltpu.sync_copy(srcs.at[s, pl.ds(h * KH, KH)], src_v)
        pltpu.sync_copy(dsts.at[s, pl.ds(h * KH, KH)], dst_v)
        gather(0, buf0, sg0)

        def pair(g, carry):
            j0 = 2 * g
            gather(j0 + 1, buf1, sg1)
            gwait(buf0, sg0)
            scat(j0, buf0)
            gather(jnp.minimum(j0 + 2, KH - 1), buf0, sg0)
            gwait(buf1, sg1)
            scat(j0 + 1, buf1)
            return carry

        lax.fori_loop(0, KH // 2, pair, 0)
        gwait(buf0, sg0)
    plsc.subcore_barrier()

    @pl.when(s == 0)
    def _():
        pltpu.sync_copy(acc_sh, s2.at[c])


def _sc_deg_body(dsts, d2, dst_v, cnt):
    c = lax.axis_index("c")
    s = lax.axis_index("s")

    pltpu.sync_copy(dsts.at[s], dst_v)

    zeros16 = jnp.zeros((16,), jnp.float32)
    ones16 = jnp.ones((16,), jnp.float32)

    def zero(i, carry):
        cnt[pl.ds(i * 16, 16)] = zeros16
        return carry

    lax.fori_loop(0, NP // 16, zero, 0)

    def chunk(g, carry):
        j = 2 * g + c
        for v in range(B // 16):
            idx = dst_v[pl.ds(j * B + v * 16, 16)]
            plsc.addupdate_scatter(cnt, [idx], ones16)
        return carry

    lax.fori_loop(0, K // 2, chunk, 0)
    pltpu.sync_copy(cnt, d2.at[c, s])


def _sc_aggregate(xt, srcs, dsts):
    mesh = plsc.VectorSubcoreMesh(core_axis_name="c", subcore_axis_name="s",
                                  num_cores=NC, num_subcores=NS)
    feat = pl.kernel(
        _sc_feat_body,
        out_type=jax.ShapeDtypeStruct((NC, NP, DH), jnp.float32),
        mesh=mesh,
        scratch_types=[
            pltpu.VMEM_SHARED((NP, DH), jnp.float32),
            pltpu.VMEM((KH, B), jnp.int32),
            pltpu.VMEM((KH, B), jnp.int32),
            pltpu.VMEM((B, DH), jnp.float32),
            pltpu.VMEM((B, DH), jnp.float32),
            pltpu.SemaphoreType.DMA,
            pltpu.SemaphoreType.DMA,
            pltpu.SemaphoreType.DMA,
        ],
    )
    deg = pl.kernel(
        _sc_deg_body,
        out_type=jax.ShapeDtypeStruct((NC, NS, NP), jnp.float32),
        mesh=mesh,
        compiler_params=pltpu.CompilerParams(needs_layout_passes=False),
        scratch_types=[
            pltpu.VMEM((K * B,), jnp.int32),
            pltpu.VMEM((NP,), jnp.float32),
        ],
    )
    zacc = jnp.zeros((NP, DH), jnp.float32)
    s2 = feat(xt, srcs, dsts, zacc)
    d2 = deg(dsts.reshape(NS, K * B))
    return s2, d2


def _tc_body(s0, s1, d2, x, wm0, wm1, ws, bb, out):
    deg = jnp.maximum(jnp.sum(d2[...], axis=1, keepdims=True), 1.0)
    agg = (jnp.dot(s0[...], wm0[...], preferred_element_type=jnp.float32)
           + jnp.dot(s1[...], wm1[...], preferred_element_type=jnp.float32))
    self_path = jnp.dot(x[...], ws[...], preferred_element_type=jnp.float32)
    out[...] = jnp.maximum(agg / deg + self_path + bb[0:1, :], 0.0)


def _tc_combine(s2, d2, x, w_msg, w_self, b):
    R = 1000
    bb = jnp.broadcast_to(b, (8, D))
    return pl.pallas_call(
        _tc_body,
        grid=(N // R,),
        in_specs=[
            pl.BlockSpec((R, DH), lambda i: (i, 0)),
            pl.BlockSpec((R, DH), lambda i: (i, 0)),
            pl.BlockSpec((R, NC * NS), lambda i: (i, 0)),
            pl.BlockSpec((R, D), lambda i: (i, 0)),
            pl.BlockSpec((DH, D), lambda i: (0, 0)),
            pl.BlockSpec((DH, D), lambda i: (0, 0)),
            pl.BlockSpec((D, D), lambda i: (0, 0)),
            pl.BlockSpec((8, D), lambda i: (0, 0)),
        ],
        out_specs=pl.BlockSpec((R, D), lambda i: (i, 0)),
        out_shape=jax.ShapeDtypeStruct((N, D), jnp.float32),
    )(s2[0], s2[1], d2.reshape(NC * NS, NP).T, x, w_msg[:DH], w_msg[DH:], w_self, bb)


def kernel(x, edge_index, W_msg, W_self, b):
    xt = x.reshape(N, NC, DH).transpose(1, 0, 2)
    pad = EP - E
    pad_src = (jnp.arange(pad, dtype=jnp.int32) * 97) % N
    pad_dst = N + (jnp.arange(pad, dtype=jnp.int32) % (NP - N))
    srcs = jnp.concatenate([edge_index[0], pad_src]).reshape(NS, K, B)
    dsts = jnp.concatenate([edge_index[1], pad_dst]).reshape(NS, K, B)
    s2, d2 = _sc_aggregate(xt, srcs, dsts)
    return _tc_combine(s2, d2, x, W_msg, W_self, b)

# --- scband reference (transcript-rebuilt; emitter-appended) ---
"""Pipeline reference for scband-gnn-8289286881405 (READ-ONLY COPY).

The authoritative reference and input builder live on the scoring server;
editing this copy changes nothing except your own understanding.
"""

import jax, jax.numpy as jnp
import numpy as np

N_NODES = 10000
N_EDGES = 160000
D_FEAT = 256


def setup_inputs(seed: int = 0) -> dict:
    key = jax.random.key(seed)
    k1, k2, k3, k4 = jax.random.split(key, 4)
    x = jax.random.normal(k1, (N_NODES, D_FEAT), dtype=jnp.float32)
    edge_index = jax.random.randint(k2, (2, N_EDGES), 0, N_NODES, dtype=jnp.int32)
    # learned parameters of the 'chain' update kernel (one message-passing step)
    W_msg = jax.random.normal(k3, (D_FEAT, D_FEAT), dtype=jnp.float32) * 0.05
    W_self = jax.random.normal(k4, (D_FEAT, D_FEAT), dtype=jnp.float32) * 0.05
    b = jnp.zeros((D_FEAT,), dtype=jnp.float32)
    return {"x": x, "edge_index": edge_index, "W_msg": W_msg, "W_self": W_self, "b": b}


def reference(x, edge_index, W_msg, W_self, b):
    # One simulate() step of the GNN: inject (no-op schedule), run chain over
    # (old_g, new_g): gather source-node features along edges, transform with the
    # chain's learned kernel, scatter-add (mean-normalized) into destination nodes,
    # combine with a self/update path, and apply nonlinearity.
    src = edge_index[0]
    dst = edge_index[1]
    msgs = jnp.take(x, src, axis=0) @ W_msg                      # gather + transform
    agg = jax.ops.segment_sum(msgs, dst, num_segments=N_NODES)    # scatter-add
    deg = jax.ops.segment_sum(jnp.ones((N_EDGES, 1), dtype=x.dtype), dst, num_segments=N_NODES)
    agg = agg / jnp.maximum(deg, 1.0)
    new_nodes = jax.nn.relu(agg + x @ W_self + b)
    return new_nodes

if __name__ == "__main__":
    import jax
    _d = setup_inputs()
    print(jax.jit(kernel)(*tuple(_d.values())))

</pallas_src>

<mosaic_0001>
#map = affine_map<(d0, d1) -> (0, 0)>
#map1 = affine_map<(d0, d1) -> (0, 0, 0)>
module attributes {stable_mosaic.version = 14 : i64} {
  func.func @_sc_deg_body(%arg0: i32, %arg1: i32, %arg2: memref<16x10240xi32, #tpu.memory_space<hbm>>, %arg3: memref<2x16x10128xf32, #tpu.memory_space<hbm>>, %arg4: memref<10240xi32, #tpu.memory_space<vmem>>, %arg5: memref<10128xf32, #tpu.memory_space<vmem>>) attributes {dimension_semantics = [#tpu.dimension_semantics<core_parallel>, #tpu.dimension_semantics<subcore_parallel>], iteration_bounds = array<i64: 2, 16>, scalar_prefetch = 0 : i64, scratch_operands = 2 : i64, tpu.core_type = #tpu.core_type<sc_vector_subcore>, window_params = [{transform_indices = #map}, {transform_indices = #map1}]} {
    "tpu.region"() ({
      %run_scoped3A = tpu.sem_alloc : memref<!tpu.dma_semaphore, #tpu.memory_space<semaphore_mem>>
      %dma_start3A = arith.constant 0 : i32
      %dma_start3A_14 = tpu.memref_slice %arg2[%arg1, %dma_start3A] : memref<16x10240xi32, #tpu.memory_space<hbm>> -> memref<1x10240xi32, #tpu.memory_space<hbm>>
      %dma_start3A_15 = tpu.memref_squeeze %dma_start3A_14 : memref<1x10240xi32, #tpu.memory_space<hbm>> -> memref<10240xi32, #tpu.memory_space<hbm>>
      %dma_start3A_16 = arith.constant 0 : i32
      %dma_start3A_17 = tpu.memref_slice %arg2[%arg1, %dma_start3A_16] : memref<16x10240xi32, #tpu.memory_space<hbm>> -> memref<1x10240xi32, #tpu.memory_space<hbm>>
      %dma_start3A_18 = tpu.memref_squeeze %dma_start3A_17 : memref<1x10240xi32, #tpu.memory_space<hbm>> -> memref<10240xi32, #tpu.memory_space<hbm>>
      tpu.enqueue_dma source(%dma_start3A_18 : memref<10240xi32, #tpu.memory_space<hbm>>) target(%arg4 : memref<10240xi32, #tpu.memory_space<vmem>>) target_semaphore(%run_scoped3A : memref<!tpu.dma_semaphore, #tpu.memory_space<semaphore_mem>>)
      %dma_wait3A = arith.constant 0 : i32
      %dma_wait3A_19 = tpu.memref_slice %arg2[%arg1, %dma_wait3A] : memref<16x10240xi32, #tpu.memory_space<hbm>> -> memref<1x10240xi32, #tpu.memory_space<hbm>>
      %dma_wait3A_20 = tpu.memref_squeeze %dma_wait3A_19 : memref<1x10240xi32, #tpu.memory_space<hbm>> -> memref<10240xi32, #tpu.memory_space<hbm>>
      %dma_wait3A_21 = arith.constant 0 : i32
      %dma_wait3A_22 = tpu.memref_slice %arg2[%arg1, %dma_wait3A_21] : memref<16x10240xi32, #tpu.memory_space<hbm>> -> memref<1x10240xi32, #tpu.memory_space<hbm>>
      %dma_wait3A_23 = tpu.memref_squeeze %dma_wait3A_22 : memref<1x10240xi32, #tpu.memory_space<hbm>> -> memref<10240xi32, #tpu.memory_space<hbm>>
      tpu.wait_dma2 semaphore(%run_scoped3A : memref<!tpu.dma_semaphore, #tpu.memory_space<semaphore_mem>>) src(%dma_wait3A_23 : memref<10240xi32, #tpu.memory_space<hbm>>) dst(%arg4 : memref<10240xi32, #tpu.memory_space<vmem>>)
      tpu.yield
    }) : () -> ()
    %broadcast_in_dim3A = arith.constant 0.000000e+00 : f32
    %broadcast_in_dim3A_0 = vector.broadcast %broadcast_in_dim3A : f32 to vector<16xf32>
    %broadcast_in_dim3A_1 = arith.constant 1.000000e+00 : f32
    %broadcast_in_dim3A_2 = vector.broadcast %broadcast_in_dim3A_1 : f32 to vector<16xf32>
    %scan3A = arith.constant 0 : i32
    %scan3A_3 = arith.constant 0 : i32
    %scan3A_4 = arith.constant 633 : i32
    %scan3A_5 = arith.addi %scan3A_3, %scan3A_4 : i32
    %scan3A_6 = arith.constant 1 : i32
    scf.for %scan3A_14 = %scan3A_3 to %scan3A_5 step %scan3A_6  : i32 {
      %mul3A = arith.constant 16 : i32
      %mul3A_15 = arith.muli %scan3A_14, %mul3A : i32
      %swap3A = arith.index_cast %mul3A_15 : i32 to index
      %swap3A_16 = tpu.vector_load %arg5[%swap3A] {strides = array<i32>} : memref<10128xf32, #tpu.memory_space<vmem>>, vector<16xf32>,
      tpu.vector_store %arg5[%swap3A], %broadcast_in_dim3A_0 {strides = array<i32>} : memref<10128xf32, #tpu.memory_space<vmem>>, vector<16xf32>,
    }
    %scan3A_7 = arith.constant 633 : i32
    %scan3A_8 = arith.constant 0 : i32
    %scan3A_9 = arith.constant 0 : i32
    %scan3A_10 = arith.constant 40 : i32
    %scan3A_11 = arith.addi %scan3A_9, %scan3A_10 : i32
    %scan3A_12 = arith.constant 1 : i32
    scf.for %scan3A_14 = %scan3A_9 to %scan3A_11 step %scan3A_12  : i32 {
      %mul3A = arith.constant 2 : i32
      %mul3A_15 = arith.muli %mul3A, %scan3A_14 : i32
      %add3A = arith.addi %mul3A_15, %arg0 : i32
      %mul3A_16 = arith.constant 128 : i32
      %mul3A_17 = arith.muli %add3A, %mul3A_16 : i32
      %add3A_18 = arith.constant 0 : i32
      %add3A_19 = arith.addi %mul3A_17, %add3A_18 : i32
      %get3A = arith.index_cast %add3A_19 : i32 to index
      %get3A_20 = tpu.vector_load %arg4[%get3A] {strides = array<i32>} : memref<10240xi32, #tpu.memory_space<vmem>>, vector<16xi32>,
      tpu.vector_store_idx %arg5[%get3A_20], %broadcast_in_dim3A_2 {add = true} : memref<10128xf32, #tpu.memory_space<vmem>>[vector<16xi32>], vector<16xf32>,
      %mul3A_21 = arith.constant 128 : i32
      %mul3A_22 = arith.muli %add3A, %mul3A_21 : i32
      %add3A_23 = arith.constant 16 : i32
      %add3A_24 = arith.addi %mul3A_22, %add3A_23 : i32
      %get3A_25 = arith.index_cast %add3A_24 : i32 to index
      %get3A_26 = tpu.vector_load %arg4[%get3A_25] {strides = array<i32>} : memref<10240xi32, #tpu.memory_space<vmem>>, vector<16xi32>,
      tpu.vector_store_idx %arg5[%get3A_26], %broadcast_in_dim3A_2 {add = true} : memref<10128xf32, #tpu.memory_space<vmem>>[vector<16xi32>], vector<16xf32>,
      %mul3A_27 = arith.constant 128 : i32
      %mul3A_28 = arith.muli %add3A, %mul3A_27 : i32
      %add3A_29 = arith.constant 32 : i32
      %add3A_30 = arith.addi %mul3A_28, %add3A_29 : i32
      %get3A_31 = arith.index_cast %add3A_30 : i32 to index
      %get3A_32 = tpu.vector_load %arg4[%get3A_31] {strides = array<i32>} : memref<10240xi32, #tpu.memory_space<vmem>>, vector<16xi32>,
      tpu.vector_store_idx %arg5[%get3A_32], %broadcast_in_dim3A_2 {add = true} : memref<10128xf32, #tpu.memory_space<vmem>>[vector<16xi32>], vector<16xf32>,
      %mul3A_33 = arith.constant 128 : i32
      %mul3A_34 = arith.muli %add3A, %mul3A_33 : i32
      %add3A_35 = arith.constant 48 : i32
      %add3A_36 = arith.addi %mul3A_34, %add3A_35 : i32
      %get3A_37 = arith.index_cast %add3A_36 : i32 to index
      %get3A_38 = tpu.vector_load %arg4[%get3A_37] {strides = array<i32>} : memref<10240xi32, #tpu.memory_space<vmem>>, vector<16xi32>,
      tpu.vector_store_idx %arg5[%get3A_38], %broadcast_in_dim3A_2 {add = true} : memref<10128xf32, #tpu.memory_space<vmem>>[vector<16xi32>], vector<16xf32>,
      %mul3A_39 = arith.constant 128 : i32
      %mul3A_40 = arith.muli %add3A, %mul3A_39 : i32
      %add3A_41 = arith.constant 64 : i32
      %add3A_42 = arith.addi %mul3A_40, %add3A_41 : i32
      %get3A_43 = arith.index_cast %add3A_42 : i32 to index
      %get3A_44 = tpu.vector_load %arg4[%get3A_43] {strides = array<i32>} : memref<10240xi32, #tpu.memory_space<vmem>>, vector<16xi32>,
      tpu.vector_store_idx %arg5[%get3A_44], %broadcast_in_dim3A_2 {add = true} : memref<10128xf32, #tpu.memory_space<vmem>>[vector<16xi32>], vector<16xf32>,
      %mul3A_45 = arith.constant 128 : i32
      %mul3A_46 = arith.muli %add3A, %mul3A_45 : i32
      %add3A_47 = arith.constant 80 : i32
      %add3A_48 = arith.addi %mul3A_46, %add3A_47 : i32
      %get3A_49 = arith.index_cast %add3A_48 : i32 to index
      %get3A_50 = tpu.vector_load %arg4[%get3A_49] {strides = array<i32>} : memref<10240xi32, #tpu.memory_space<vmem>>, vector<16xi32>,
      tpu.vector_store_idx %arg5[%get3A_50], %broadcast_in_dim3A_2 {add = true} : memref<10128xf32, #tpu.memory_space<vmem>>[vector<16xi32>], vector<16xf32>,
      %mul3A_51 = arith.constant 128 : i32
      %mul3A_52 = arith.muli %add3A, %mul3A_51 : i32
      %add3A_53 = arith.constant 96 : i32
      %add3A_54 = arith.addi %mul3A_52, %add3A_53 : i32
      %get3A_55 = arith.index_cast %add3A_54 : i32 to index
      %get3A_56 = tpu.vector_load %arg4[%get3A_55] {strides = array<i32>} : memref<10240xi32, #tpu.memory_space<vmem>>, vector<16xi32>,
      tpu.vector_store_idx %arg5[%get3A_56], %broadcast_in_dim3A_2 {add = true} : memref<10128xf32, #tpu.memory_space<vmem>>[vector<16xi32>], vector<16xf32>,
      %mul3A_57 = arith.constant 128 : i32
      %mul3A_58 = arith.muli %add3A, %mul3A_57 : i32
      %add3A_59 = arith.constant 112 : i32
      %add3A_60 = arith.addi %mul3A_58, %add3A_59 : i32
      %get3A_61 = arith.index_cast %add3A_60 : i32 to index
      %get3A_62 = tpu.vector_load %arg4[%get3A_61] {strides = array<i32>} : memref<10240xi32, #tpu.memory_space<vmem>>, vector<16xi32>,
      tpu.vector_store_idx %arg5[%get3A_62], %broadcast_in_dim3A_2 {add = true} : memref<10128xf32, #tpu.memory_space<vmem>>[vector<16xi32>], vector<16xf32>,
    }
    %scan3A_13 = arith.constant 40 : i32
    "tpu.region"() ({
      %run_scoped3A = tpu.sem_alloc : memref<!tpu.dma_semaphore, #tpu.memory_space<semaphore_mem>>
      %dma_start3A = arith.constant 0 : i32
      %dma_start3A_14 = tpu.memref_slice %arg3[%arg0, %arg1, %dma_start3A] : memref<2x16x10128xf32, #tpu.memory_space<hbm>> -> memref<1x1x10128xf32, #tpu.memory_space<hbm>>
      %dma_start3A_15 = tpu.memref_squeeze %dma_start3A_14 : memref<1x1x10128xf32, #tpu.memory_space<hbm>> -> memref<10128xf32, #tpu.memory_space<hbm>>
      %dma_start3A_16 = arith.constant 0 : i32
      %dma_start3A_17 = tpu.memref_slice %arg3[%arg0, %arg1, %dma_start3A_16] : memref<2x16x10128xf32, #tpu.memory_space<hbm>> -> memref<1x1x10128xf32, #tpu.memory_space<hbm>>
      %dma_start3A_18 = tpu.memref_squeeze %dma_start3A_17 : memref<1x1x10128xf32, #tpu.memory_space<hbm>> -> memref<10128xf32, #tpu.memory_space<hbm>>
      tpu.enqueue_dma source(%arg5 : memref<10128xf32, #tpu.memory_space<vmem>>) target(%dma_start3A_18 : memref<10128xf32, #tpu.memory_space<hbm>>) target_semaphore(%run_scoped3A : memref<!tpu.dma_semaphore, #tpu.memory_space<semaphore_mem>>)
      %dma_wait3A = arith.constant 0 : i32
      %dma_wait3A_19 = tpu.memref_slice %arg3[%arg0, %arg1, %dma_wait3A] : memref<2x16x10128xf32, #tpu.memory_space<hbm>> -> memref<1x1x10128xf32, #tpu.memory_space<hbm>>
      %dma_wait3A_20 = tpu.memref_squeeze %dma_wait3A_19 : memref<1x1x10128xf32, #tpu.memory_space<hbm>> -> memref<10128xf32, #tpu.memory_space<hbm>>
      %dma_wait3A_21 = arith.constant 0 : i32
      %dma_wait3A_22 = tpu.memref_slice %arg3[%arg0, %arg1, %dma_wait3A_21] : memref<2x16x10128xf32, #tpu.memory_space<hbm>> -> memref<1x1x10128xf32, #tpu.memory_space<hbm>>
      %dma_wait3A_23 = tpu.memref_squeeze %dma_wait3A_22 : memref<1x1x10128xf32, #tpu.memory_space<hbm>> -> memref<10128xf32, #tpu.memory_space<hbm>>
      tpu.wait_dma2 semaphore(%run_scoped3A : memref<!tpu.dma_semaphore, #tpu.memory_space<semaphore_mem>>) src(%arg5 : memref<10128xf32, #tpu.memory_space<vmem>>) dst(%dma_wait3A_23 : memref<10128xf32, #tpu.memory_space<hbm>>)
      tpu.yield
    }) : () -> ()
    return
  }
}

#map = affine_map<(d0, d1) -> (0, 0, 0)>
#map1 = affine_map<(d0, d1) -> (0, 0)>
module attributes {stable_mosaic.version = 14 : i64} {
  func.func @_sc_feat_body(%arg0: i32, %arg1: i32, %arg2: memref<2x10000x128xf32, #tpu.memory_space<hbm>>, %arg3: memref<16x80x128xi32, #tpu.memory_space<hbm>>, %arg4: memref<16x80x128xi32, #tpu.memory_space<hbm>>, %arg5: memref<10128x128xf32, #tpu.memory_space<hbm>>, %arg6: memref<2x10128x128xf32, #tpu.memory_space<hbm>>, %arg7: memref<10128x128xf32, #tpu.memory_space<vmem_shared>>, %arg8: memref<40x128xi32, #tpu.memory_space<vmem>>, %arg9: memref<40x128xi32, #tpu.memory_space<vmem>>, %arg10: memref<128x128xf32, #tpu.memory_space<vmem>>, %arg11: memref<128x128xf32, #tpu.memory_space<vmem>>, %arg12: memref<!tpu.dma_semaphore, #tpu.memory_space<semaphore_mem>>, %arg13: memref<!tpu.dma_semaphore, #tpu.memory_space<semaphore_mem>>, %arg14: memref<!tpu.dma_semaphore, #tpu.memory_space<semaphore_mem>>) attributes {dimension_semantics = [#tpu.dimension_semantics<core_parallel>, #tpu.dimension_semantics<subcore_parallel>], iteration_bounds = array<i64: 2, 16>, scalar_prefetch = 0 : i64, scratch_operands = 8 : i64, tpu.core_type = #tpu.core_type<sc_vector_subcore>, window_params = [{transform_indices = #map}, {transform_indices = #map}, {transform_indices = #map}, {transform_indices = #map1}, {transform_indices = #map}]} {
    %eq3A = arith.constant 0 : i32
    %eq3A_0 = arith.cmpi eq, %arg1, %eq3A : i32
    %convert_element_type3A = arith.extui %eq3A_0 : i1 to i32
    %cond3A = arith.constant 0 : i32
    %cond3A_1 = arith.cmpi ne, %convert_element_type3A, %cond3A : i32
    scf.if %cond3A_1 {
      "tpu.region"() ({
        %run_scoped3A = tpu.sem_alloc : memref<!tpu.dma_semaphore, #tpu.memory_space<semaphore_mem>>
        tpu.enqueue_dma source(%arg5 : memref<10128x128xf32, #tpu.memory_space<hbm>>) target(%arg7 : memref<10128x128xf32, #tpu.memory_space<vmem_shared>>) target_semaphore(%run_scoped3A : memref<!tpu.dma_semaphore, #tpu.memory_space<semaphore_mem>>)
        tpu.wait_dma2 semaphore(%run_scoped3A : memref<!tpu.dma_semaphore, #tpu.memory_space<semaphore_mem>>) src(%arg5 : memref<10128x128xf32, #tpu.memory_space<hbm>>) dst(%arg7 : memref<10128x128xf32, #tpu.memory_space<vmem_shared>>)
        tpu.yield
      }) : () -> ()
    } else {
    }
    %barrier3A = arith.constant 0 : index
    tpu.barrier barrier_id(%barrier3A)
    "tpu.region"() ({
      %run_scoped3A = tpu.sem_alloc : memref<!tpu.dma_semaphore, #tpu.memory_space<semaphore_mem>>
      %dma_start3A_55 = arith.constant 0 : i32
      %dma_start3A_56 = arith.constant 0 : i32
      %dma_start3A_57 = tpu.memref_slice %arg3[%arg1, %dma_start3A_55, %dma_start3A_56] : memref<16x80x128xi32, #tpu.memory_space<hbm>> -> memref<1x40x128xi32, #tpu.memory_space<hbm>>
      %dma_start3A_58 = tpu.memref_squeeze %dma_start3A_57 : memref<1x40x128xi32, #tpu.memory_space<hbm>> -> memref<40x128xi32, #tpu.memory_space<hbm>>
      %dma_start3A_59 = arith.constant 0 : i32
      %dma_start3A_60 = arith.constant 0 : i32
      %dma_start3A_61 = tpu.memref_slice %arg3[%arg1, %dma_start3A_59, %dma_start3A_60] : memref<16x80x128xi32, #tpu.memory_space<hbm>> -> memref<1x40x128xi32, #tpu.memory_space<hbm>>
      %dma_start3A_62 = tpu.memref_squeeze %dma_start3A_61 : memref<1x40x128xi32, #tpu.memory_space<hbm>> -> memref<40x128xi32, #tpu.memory_space<hbm>>
      tpu.enqueue_dma source(%dma_start3A_62 : memref<40x128xi32, #tpu.memory_space<hbm>>) target(%arg8 : memref<40x128xi32, #tpu.memory_space<vmem>>) target_semaphore(%run_scoped3A : memref<!tpu.dma_semaphore, #tpu.memory_space<semaphore_mem>>)
      %dma_wait3A_63 = arith.constant 0 : i32
      %dma_wait3A_64 = arith.constant 0 : i32
      %dma_wait3A_65 = tpu.memref_slice %arg3[%arg1, %dma_wait3A_63, %dma_wait3A_64] : memref<16x80x128xi32, #tpu.memory_space<hbm>> -> memref<1x40x128xi32, #tpu.memory_space<hbm>>
      %dma_wait3A_66 = tpu.memref_squeeze %dma_wait3A_65 : memref<1x40x128xi32, #tpu.memory_space<hbm>> -> memref<40x128xi32, #tpu.memory_space<hbm>>
      %dma_wait3A_67 = arith.constant 0 : i32
      %dma_wait3A_68 = arith.constant 0 : i32
      %dma_wait3A_69 = tpu.memref_slice %arg3[%arg1, %dma_wait3A_67, %dma_wait3A_68] : memref<16x80x128xi32, #tpu.memory_space<hbm>> -> memref<1x40x128xi32, #tpu.memory_space<hbm>>
      %dma_wait3A_70 = tpu.memref_squeeze %dma_wait3A_69 : memref<1x40x128xi32, #tpu.memory_space<hbm>> -> memref<40x128xi32, #tpu.memory_space<hbm>>
      tpu.wait_dma2 semaphore(%run_scoped3A : memref<!tpu.dma_semaphore, #tpu.memory_space<semaphore_mem>>) src(%dma_wait3A_70 : memref<40x128xi32, #tpu.memory_space<hbm>>) dst(%arg8 : memref<40x128xi32, #tpu.memory_space<vmem>>)
      tpu.yield
    }) : () -> ()
    "tpu.region"() ({
      %run_scoped3A = tpu.sem_alloc : memref<!tpu.dma_semaphore, #tpu.memory_space<semaphore_mem>>
      %dma_start3A_55 = arith.constant 0 : i32
      %dma_start3A_56 = arith.constant 0 : i32
      %dma_start3A_57 = tpu.memref_slice %arg4[%arg1, %dma_start3A_55, %dma_start3A_56] : memref<16x80x128xi32, #tpu.memory_space<hbm>> -> memref<1x40x128xi32, #tpu.memory_space<hbm>>
      %dma_start3A_58 = tpu.memref_squeeze %dma_start3A_57 : memref<1x40x128xi32, #tpu.memory_space<hbm>> -> memref<40x128xi32, #tpu.memory_space<hbm>>
      %dma_start3A_59 = arith.constant 0 : i32
      %dma_start3A_60 = arith.constant 0 : i32
      %dma_start3A_61 = tpu.memref_slice %arg4[%arg1, %dma_start3A_59, %dma_start3A_60] : memref<16x80x128xi32, #tpu.memory_space<hbm>> -> memref<1x40x128xi32, #tpu.memory_space<hbm>>
      %dma_start3A_62 = tpu.memref_squeeze %dma_start3A_61 : memref<1x40x128xi32, #tpu.memory_space<hbm>> -> memref<40x128xi32, #tpu.memory_space<hbm>>
      tpu.enqueue_dma source(%dma_start3A_62 : memref<40x128xi32, #tpu.memory_space<hbm>>) target(%arg9 : memref<40x128xi32, #tpu.memory_space<vmem>>) target_semaphore(%run_scoped3A : memref<!tpu.dma_semaphore, #tpu.memory_space<semaphore_mem>>)
      %dma_wait3A_63 = arith.constant 0 : i32
      %dma_wait3A_64 = arith.constant 0 : i32
      %dma_wait3A_65 = tpu.memref_slice %arg4[%arg1, %dma_wait3A_63, %dma_wait3A_64] : memref<16x80x128xi32, #tpu.memory_space<hbm>> -> memref<1x40x128xi32, #tpu.memory_space<hbm>>
      %dma_wait3A_66 = tpu.memref_squeeze %dma_wait3A_65 : memref<1x40x128xi32, #tpu.memory_space<hbm>> -> memref<40x128xi32, #tpu.memory_space<hbm>>
      %dma_wait3A_67 = arith.constant 0 : i32
      %dma_wait3A_68 = arith.constant 0 : i32
      %dma_wait3A_69 = tpu.memref_slice %arg4[%arg1, %dma_wait3A_67, %dma_wait3A_68] : memref<16x80x128xi32, #tpu.memory_space<hbm>> -> memref<1x40x128xi32, #tpu.memory_space<hbm>>
      %dma_wait3A_70 = tpu.memref_squeeze %dma_wait3A_69 : memref<1x40x128xi32, #tpu.memory_space<hbm>> -> memref<40x128xi32, #tpu.memory_space<hbm>>
      tpu.wait_dma2 semaphore(%run_scoped3A : memref<!tpu.dma_semaphore, #tpu.memory_space<semaphore_mem>>) src(%dma_wait3A_70 : memref<40x128xi32, #tpu.memory_space<hbm>>) dst(%arg9 : memref<40x128xi32, #tpu.memory_space<vmem>>)
      tpu.yield
    }) : () -> ()
    %dma_start3A = arith.constant 0 : i32
    %dma_start3A_2 = arith.constant 0 : i32
    %dma_start3A_3 = tpu.memref_slice %arg8[%dma_start3A, %dma_start3A_2] : memref<40x128xi32, #tpu.memory_space<vmem>> -> memref<1x128xi32, #tpu.memory_space<vmem>>
    %dma_start3A_4 = tpu.memref_squeeze %dma_start3A_3 : memref<1x128xi32, #tpu.memory_space<vmem>> -> memref<128xi32, #tpu.memory_space<vmem>>
    %dma_start3A_5 = arith.constant 0 : i32
    %dma_start3A_6 = arith.constant 0 : i32
    %dma_start3A_7 = tpu.memref_slice %arg2[%arg0, %dma_start3A_5, %dma_start3A_6] : memref<2x10000x128xf32, #tpu.memory_space<hbm>> -> memref<1x10000x128xf32, #tpu.memory_space<hbm>>
    %dma_start3A_8 = tpu.memref_squeeze %dma_start3A_7 : memref<1x10000x128xf32, #tpu.memory_space<hbm>> -> memref<10000x128xf32, #tpu.memory_space<hbm>>
    %dma_start3A_9 = arith.constant 0 : i32
    %dma_start3A_10 = arith.constant 0 : i32
    %dma_start3A_11 = tpu.memref_slice %dma_start3A_8[%dma_start3A_9, %dma_start3A_10] : memref<10000x128xf32, #tpu.memory_space<hbm>> -> memref<10000x128xf32, #tpu.memory_space<hbm>>
    tpu.enqueue_indirect_dma source(%dma_start3A_11 : memref<10000x128xf32, #tpu.memory_space<hbm>>) target(%arg10 : memref<128x128xf32, #tpu.memory_space<vmem>>) offsets(%dma_start3A_4 : memref<128xi32, #tpu.memory_space<vmem>>) semaphore(%arg12 : memref<!tpu.dma_semaphore, #tpu.memory_space<semaphore_mem>>)
    %scan3A = arith.constant 0 : i32
    %scan3A_12 = arith.constant 0 : i32
    %scan3A_13 = arith.constant 20 : i32
    %scan3A_14 = arith.addi %scan3A_12, %scan3A_13 : i32
    %scan3A_15 = arith.constant 1 : i32
    scf.for %scan3A_55 = %scan3A_12 to %scan3A_14 step %scan3A_15  : i32 {
      %mul3A = arith.constant 2 : i32
      %mul3A_56 = arith.muli %mul3A, %scan3A_55 : i32
      %add3A = arith.constant 1 : i32
      %add3A_57 = arith.addi %mul3A_56, %add3A : i32
      %dma_start3A_58 = arith.constant 0 : i32
      %dma_start3A_59 = tpu.memref_slice %arg8[%add3A_57, %dma_start3A_58] : memref<40x128xi32, #tpu.memory_space<vmem>> -> memref<1x128xi32, #tpu.memory_space<vmem>>
      %dma_start3A_60 = tpu.memref_squeeze %dma_start3A_59 : memref<1x128xi32, #tpu.memory_space<vmem>> -> memref<128xi32, #tpu.memory_space<vmem>>
      %dma_start3A_61 = arith.constant 0 : i32
      %dma_start3A_62 = arith.constant 0 : i32
      %dma_start3A_63 = tpu.memref_slice %arg2[%arg0, %dma_start3A_61, %dma_start3A_62] : memref<2x10000x128xf32, #tpu.memory_space<hbm>> -> memref<1x10000x128xf32, #tpu.memory_space<hbm>>
      %dma_start3A_64 = tpu.memref_squeeze %dma_start3A_63 : memref<1x10000x128xf32, #tpu.memory_space<hbm>> -> memref<10000x128xf32, #tpu.memory_space<hbm>>
      %dma_start3A_65 = arith.constant 0 : i32
      %dma_start3A_66 = arith.constant 0 : i32
      %dma_start3A_67 = tpu.memref_slice %dma_start3A_64[%dma_start3A_65, %dma_start3A_66] : memref<10000x128xf32, #tpu.memory_space<hbm>> -> memref<10000x128xf32, #tpu.memory_space<hbm>>
      tpu.enqueue_indirect_dma source(%dma_start3A_67 : memref<10000x128xf32, #tpu.memory_space<hbm>>) target(%arg11 : memref<128x128xf32, #tpu.memory_space<vmem>>) offsets(%dma_start3A_60 : memref<128xi32, #tpu.memory_space<vmem>>) semaphore(%arg13 : memref<!tpu.dma_semaphore, #tpu.memory_space<semaphore_mem>>)
      %dma_wait3A_68 = arith.constant 0 : i32
      %dma_wait3A_69 = arith.constant 0 : i32
      %dma_wait3A_70 = tpu.memref_slice %arg2[%arg0, %dma_wait3A_68, %dma_wait3A_69] : memref<2x10000x128xf32, #tpu.memory_space<hbm>> -> memref<1x128x128xf32, #tpu.memory_space<hbm>>
      %dma_wait3A_71 = tpu.memref_squeeze %dma_wait3A_70 : memref<1x128x128xf32, #tpu.memory_space<hbm>> -> memref<128x128xf32, #tpu.memory_space<hbm>>
      %dma_wait3A_72 = arith.constant 0 : i32
      %dma_wait3A_73 = arith.constant 0 : i32
      %dma_wait3A_74 = tpu.memref_slice %arg2[%arg0, %dma_wait3A_72, %dma_wait3A_73] : memref<2x10000x128xf32, #tpu.memory_space<hbm>> -> memref<1x128x128xf32, #tpu.memory_space<hbm>>
      %dma_wait3A_75 = tpu.memref_squeeze %dma_wait3A_74 : memref<1x128x128xf32, #tpu.memory_space<hbm>> -> memref<128x128xf32, #tpu.memory_space<hbm>>
      tpu.wait_dma2 semaphore(%arg12 : memref<!tpu.dma_semaphore, #tpu.memory_space<semaphore_mem>>) src(%dma_wait3A_75 : memref<128x128xf32, #tpu.memory_space<hbm>>) dst(%arg10 : memref<128x128xf32, #tpu.memory_space<vmem>>)
      %dma_start3A_76 = arith.constant 0 : i32
      %dma_start3A_77 = tpu.memref_slice %arg9[%mul3A_56, %dma_start3A_76] : memref<40x128xi32, #tpu.memory_space<vmem>> -> memref<1x128xi32, #tpu.memory_space<vmem>>
      %dma_start3A_78 = tpu.memref_squeeze %dma_start3A_77 : memref<1x128xi32, #tpu.memory_space<vmem>> -> memref<128xi32, #tpu.memory_space<vmem>>
      %dma_start3A_79 = arith.constant 0 : i32
      %dma_start3A_80 = arith.constant 0 : i32
      %dma_start3A_81 = tpu.memref_slice %arg7[%dma_start3A_79, %dma_start3A_80] : memref<10128x128xf32, #tpu.memory_space<vmem_shared>> -> memref<10128x128xf32, #tpu.memory_space<vmem_shared>>
      tpu.enqueue_indirect_dma source(%arg10 : memref<128x128xf32, #tpu.memory_space<vmem>>) target(%dma_start3A_81 : memref<10128x128xf32, #tpu.memory_space<vmem_shared>>) offsets(%dma_start3A_78 : memref<128xi32, #tpu.memory_space<vmem>>) semaphore(%arg14 : memref<!tpu.dma_semaphore, #tpu.memory_space<semaphore_mem>>) {add = true}
      %dma_wait3A_82 = arith.constant 0 : i32
      %dma_wait3A_83 = tpu.memref_slice %arg9[%mul3A_56, %dma_wait3A_82] : memref<40x128xi32, #tpu.memory_space<vmem>> -> memref<1x128xi32, #tpu.memory_space<vmem>>
      %dma_wait3A_84 = tpu.memref_squeeze %dma_wait3A_83 : memref<1x128xi32, #tpu.memory_space<vmem>> -> memref<128xi32, #tpu.memory_space<vmem>>
      %dma_wait3A_85 = arith.constant 0 : i32
      %dma_wait3A_86 = arith.constant 0 : i32
      %dma_wait3A_87 = tpu.memref_slice %arg7[%dma_wait3A_85, %dma_wait3A_86] : memref<10128x128xf32, #tpu.memory_space<vmem_shared>> -> memref<10128x128xf32, #tpu.memory_space<vmem_shared>>
      tpu.wait_indirect_dma semaphore(%arg14 : memref<!tpu.dma_semaphore, #tpu.memory_space<semaphore_mem>>) src(%arg10 : memref<128x128xf32, #tpu.memory_space<vmem>>) dst(%dma_wait3A_87 : memref<10128x128xf32, #tpu.memory_space<vmem_shared>>)
      %add3A_88 = arith.constant 2 : i32
      %add3A_89 = arith.addi %mul3A_56, %add3A_88 : i32
      %min3A = arith.constant 39 : i32
      %min3A_90 = arith.minsi %add3A_89, %min3A : i32
      %dma_start3A_91 = arith.constant 0 : i32
      %dma_start3A_92 = tpu.memref_slice %arg8[%min3A_90, %dma_start3A_91] : memref<40x128xi32, #tpu.memory_space<vmem>> -> memref<1x128xi32, #tpu.memory_space<vmem>>
      %dma_start3A_93 = tpu.memref_squeeze %dma_start3A_92 : memref<1x128xi32, #tpu.memory_space<vmem>> -> memref<128xi32, #tpu.memory_space<vmem>>
      %dma_start3A_94 = arith.constant 0 : i32
      %dma_start3A_95 = arith.constant 0 : i32
      %dma_start3A_96 = tpu.memref_slice %arg2[%arg0, %dma_start3A_94, %dma_start3A_95] : memref<2x10000x128xf32, #tpu.memory_space<hbm>> -> memref<1x10000x128xf32, #tpu.memory_space<hbm>>
      %dma_start3A_97 = tpu.memref_squeeze %dma_start3A_96 : memref<1x10000x128xf32, #tpu.memory_space<hbm>> -> memref<10000x128xf32, #tpu.memory_space<hbm>>
      %dma_start3A_98 = arith.constant 0 : i32
      %dma_start3A_99 = arith.constant 0 : i32
      %dma_start3A_100 = tpu.memref_slice %dma_start3A_97[%dma_start3A_98, %dma_start3A_99] : memref<10000x128xf32, #tpu.memory_space<hbm>> -> memref<10000x128xf32, #tpu.memory_space<hbm>>
      tpu.enqueue_indirect_dma source(%dma_start3A_100 : memref<10000x128xf32, #tpu.memory_space<hbm>>) target(%arg10 : memref<128x128xf32, #tpu.memory_space<vmem>>) offsets(%dma_start3A_93 : memref<128xi32, #tpu.memory_space<vmem>>) semaphore(%arg12 : memref<!tpu.dma_semaphore, #tpu.memory_space<semaphore_mem>>)
      %dma_wait3A_101 = arith.constant 0 : i32
      %dma_wait3A_102 = arith.constant 0 : i32
      %dma_wait3A_103 = tpu.memref_slice %arg2[%arg0, %dma_wait3A_101, %dma_wait3A_102] : memref<2x10000x128xf32, #tpu.memory_space<hbm>> -> memref<1x128x128xf32, #tpu.memory_space<hbm>>
      %dma_wait3A_104 = tpu.memref_squeeze %dma_wait3A_103 : memref<1x128x128xf32, #tpu.memory_space<hbm>> -> memref<128x128xf32, #tpu.memory_space<hbm>>
      %dma_wait3A_105 = arith.constant 0 : i32
      %dma_wait3A_106 = arith.constant 0 : i32
      %dma_wait3A_107 = tpu.memref_slice %arg2[%arg0, %dma_wait3A_105, %dma_wait3A_106] : memref<2x10000x128xf32, #tpu.memory_space<hbm>> -> memref<1x128x128xf32, #tpu.memory_space<hbm>>
      %dma_wait3A_108 = tpu.memref_squeeze %dma_wait3A_107 : memref<1x128x128xf32, #tpu.memory_space<hbm>> -> memref<128x128xf32, #tpu.memory_space<hbm>>
      tpu.wait_dma2 semaphore(%arg13 : memref<!tpu.dma_semaphore, #tpu.memory_space<semaphore_mem>>) src(%dma_wait3A_108 : memref<128x128xf32, #tpu.memory_space<hbm>>) dst(%arg11 : memref<128x128xf32, #tpu.memory_space<vmem>>)
      %add3A_109 = arith.constant 1 : i32
      %add3A_110 = arith.addi %mul3A_56, %add3A_109 : i32
      %dma_start3A_111 = arith.constant 0 : i32
      %dma_start3A_112 = tpu.memref_slice %arg9[%add3A_110, %dma_start3A_111] : memref<40x128xi32, #tpu.memory_space<vmem>> -> memref<1x128xi32, #tpu.memory_space<vmem>>
      %dma_start3A_113 = tpu.memref_squeeze %dma_start3A_112 : memref<1x128xi32, #tpu.memory_space<vmem>> -> memref<128xi32, #tpu.memory_space<vmem>>
      %dma_start3A_114 = arith.constant 0 : i32
      %dma_start3A_115 = arith.constant 0 : i32
      %dma_start3A_116 = tpu.memref_slice %arg7[%dma_start3A_114, %dma_start3A_115] : memref<10128x128xf32, #tpu.memory_space<vmem_shared>> -> memref<10128x128xf32, #tpu.memory_space<vmem_shared>>
      tpu.enqueue_indirect_dma source(%arg11 : memref<128x128xf32, #tpu.memory_space<vmem>>) target(%dma_start3A_116 : memref<10128x128xf32, #tpu.memory_space<vmem_shared>>) offsets(%dma_start3A_113 : memref<128xi32, #tpu.memory_space<vmem>>) semaphore(%arg14 : memref<!tpu.dma_semaphore, #tpu.memory_space<semaphore_mem>>) {add = true}
      %dma_wait3A_117 = arith.constant 0 : i32
      %dma_wait3A_118 = tpu.memref_slice %arg9[%add3A_110, %dma_wait3A_117] : memref<40x128xi32, #tpu.memory_space<vmem>> -> memref<1x128xi32, #tpu.memory_space<vmem>>
      %dma_wait3A_119 = tpu.memref_squeeze %dma_wait3A_118 : memref<1x128xi32, #tpu.memory_space<vmem>> -> memref<128xi32, #tpu.memory_space<vmem>>
      %dma_wait3A_120 = arith.constant 0 : i32
      %dma_wait3A_121 = arith.constant 0 : i32
      %dma_wait3A_122 = tpu.memref_slice %arg7[%dma_wait3A_120, %dma_wait3A_121] : memref<10128x128xf32, #tpu.memory_space<vmem_shared>> -> memref<10128x128xf32, #tpu.memory_space<vmem_shared>>
      tpu.wait_indirect_dma semaphore(%arg14 : memref<!tpu.dma_semaphore, #tpu.memory_space<semaphore_mem>>) src(%arg11 : memref<128x128xf32, #tpu.memory_space<vmem>>) dst(%dma_wait3A_122 : memref<10128x128xf32, #tpu.memory_space<vmem_shared>>)
    }
    %scan3A_16 = arith.constant 20 : i32
    %dma_wait3A = arith.constant 0 : i32
    %dma_wait3A_17 = arith.constant 0 : i32
    %dma_wait3A_18 = tpu.memref_slice %arg2[%arg0, %dma_wait3A, %dma_wait3A_17] : memref<2x10000x128xf32, #tpu.memory_space<hbm>> -> memref<1x128x128xf32, #tpu.memory_space<hbm>>
    %dma_wait3A_19 = tpu.memref_squeeze %dma_wait3A_18 : memref<1x128x128xf32, #tpu.memory_space<hbm>> -> memref<128x128xf32, #tpu.memory_space<hbm>>
    %dma_wait3A_20 = arith.constant 0 : i32
    %dma_wait3A_21 = arith.constant 0 : i32
    %dma_wait3A_22 = tpu.memref_slice %arg2[%arg0, %dma_wait3A_20, %dma_wait3A_21] : memref<2x10000x128xf32, #tpu.memory_space<hbm>> -> memref<1x128x128xf32, #tpu.memory_space<hbm>>
    %dma_wait3A_23 = tpu.memref_squeeze %dma_wait3A_22 : memref<1x128x128xf32, #tpu.memory_space<hbm>> -> memref<128x128xf32, #tpu.memory_space<hbm>>
    tpu.wait_dma2 semaphore(%arg12 : memref<!tpu.dma_semaphore, #tpu.memory_space<semaphore_mem>>) src(%dma_wait3A_23 : memref<128x128xf32, #tpu.memory_space<hbm>>) dst(%arg10 : memref<128x128xf32, #tpu.memory_space<vmem>>)
    "tpu.region"() ({
      %run_scoped3A = tpu.sem_alloc : memref<!tpu.dma_semaphore, #tpu.memory_space<semaphore_mem>>
      %dma_start3A_55 = arith.constant 40 : i32
      %dma_start3A_56 = arith.constant 0 : i32
      %dma_start3A_57 = tpu.memref_slice %arg3[%arg1, %dma_start3A_55, %dma_start3A_56] : memref<16x80x128xi32, #tpu.memory_space<hbm>> -> memref<1x40x128xi32, #tpu.memory_space<hbm>>
      %dma_start3A_58 = tpu.memref_squeeze %dma_start3A_57 : memref<1x40x128xi32, #tpu.memory_space<hbm>> -> memref<40x128xi32, #tpu.memory_space<hbm>>
      %dma_start3A_59 = arith.constant 40 : i32
      %dma_start3A_60 = arith.constant 0 : i32
      %dma_start3A_61 = tpu.memref_slice %arg3[%arg1, %dma_start3A_59, %dma_start3A_60] : memref<16x80x128xi32, #tpu.memory_space<hbm>> -> memref<1x40x128xi32, #tpu.memory_space<hbm>>
      %dma_start3A_62 = tpu.memref_squeeze %dma_start3A_61 : memref<1x40x128xi32, #tpu.memory_space<hbm>> -> memref<40x128xi32, #tpu.memory_space<hbm>>
      tpu.enqueue_dma source(%dma_start3A_62 : memref<40x128xi32, #tpu.memory_space<hbm>>) target(%arg8 : memref<40x128xi32, #tpu.memory_space<vmem>>) target_semaphore(%run_scoped3A : memref<!tpu.dma_semaphore, #tpu.memory_space<semaphore_mem>>)
      %dma_wait3A_63 = arith.constant 40 : i32
      %dma_wait3A_64 = arith.constant 0 : i32
      %dma_wait3A_65 = tpu.memref_slice %arg3[%arg1, %dma_wait3A_63, %dma_wait3A_64] : memref<16x80x128xi32, #tpu.memory_space<hbm>> -> memref<1x40x128xi32, #tpu.memory_space<hbm>>
      %dma_wait3A_66 = tpu.memref_squeeze %dma_wait3A_65 : memref<1x40x128xi32, #tpu.memory_space<hbm>> -> memref<40x128xi32, #tpu.memory_space<hbm>>
      %dma_wait3A_67 = arith.constant 40 : i32
      %dma_wait3A_68 = arith.constant 0 : i32
      %dma_wait3A_69 = tpu.memref_slice %arg3[%arg1, %dma_wait3A_67, %dma_wait3A_68] : memref<16x80x128xi32, #tpu.memory_space<hbm>> -> memref<1x40x128xi32, #tpu.memory_space<hbm>>
      %dma_wait3A_70 = tpu.memref_squeeze %dma_wait3A_69 : memref<1x40x128xi32, #tpu.memory_space<hbm>> -> memref<40x128xi32, #tpu.memory_space<hbm>>
      tpu.wait_dma2 semaphore(%run_scoped3A : memref<!tpu.dma_semaphore, #tpu.memory_space<semaphore_mem>>) src(%dma_wait3A_70 : memref<40x128xi32, #tpu.memory_space<hbm>>) dst(%arg8 : memref<40x128xi32, #tpu.memory_space<vmem>>)
      tpu.yield
    }) : () -> ()
    "tpu.region"() ({
      %run_scoped3A = tpu.sem_alloc : memref<!tpu.dma_semaphore, #tpu.memory_space<semaphore_mem>>
      %dma_start3A_55 = arith.constant 40 : i32
      %dma_start3A_56 = arith.constant 0 : i32
      %dma_start3A_57 = tpu.memref_slice %arg4[%arg1, %dma_start3A_55, %dma_start3A_56] : memref<16x80x128xi32, #tpu.memory_space<hbm>> -> memref<1x40x128xi32, #tpu.memory_space<hbm>>
      %dma_start3A_58 = tpu.memref_squeeze %dma_start3A_57 : memref<1x40x128xi32, #tpu.memory_space<hbm>> -> memref<40x128xi32, #tpu.memory_space<hbm>>
      %dma_start3A_59 = arith.constant 40 : i32
      %dma_start3A_60 = arith.constant 0 : i32
      %dma_start3A_61 = tpu.memref_slice %arg4[%arg1, %dma_start3A_59, %dma_start3A_60] : memref<16x80x128xi32, #tpu.memory_space<hbm>> -> memref<1x40x128xi32, #tpu.memory_space<hbm>>
      %dma_start3A_62 = tpu.memref_squeeze %dma_start3A_61 : memref<1x40x128xi32, #tpu.memory_space<hbm>> -> memref<40x128xi32, #tpu.memory_space<hbm>>
      tpu.enqueue_dma source(%dma_start3A_62 : memref<40x128xi32, #tpu.memory_space<hbm>>) target(%arg9 : memref<40x128xi32, #tpu.memory_space<vmem>>) target_semaphore(%run_scoped3A : memref<!tpu.dma_semaphore, #tpu.memory_space<semaphore_mem>>)
      %dma_wait3A_63 = arith.constant 40 : i32
      %dma_wait3A_64 = arith.constant 0 : i32
      %dma_wait3A_65 = tpu.memref_slice %arg4[%arg1, %dma_wait3A_63, %dma_wait3A_64] : memref<16x80x128xi32, #tpu.memory_space<hbm>> -> memref<1x40x128xi32, #tpu.memory_space<hbm>>
      %dma_wait3A_66 = tpu.memref_squeeze %dma_wait3A_65 : memref<1x40x128xi32, #tpu.memory_space<hbm>> -> memref<40x128xi32, #tpu.memory_space<hbm>>
      %dma_wait3A_67 = arith.constant 40 : i32
      %dma_wait3A_68 = arith.constant 0 : i32
      %dma_wait3A_69 = tpu.memref_slice %arg4[%arg1, %dma_wait3A_67, %dma_wait3A_68] : memref<16x80x128xi32, #tpu.memory_space<hbm>> -> memref<1x40x128xi32, #tpu.memory_space<hbm>>
      %dma_wait3A_70 = tpu.memref_squeeze %dma_wait3A_69 : memref<1x40x128xi32, #tpu.memory_space<hbm>> -> memref<40x128xi32, #tpu.memory_space<hbm>>
      tpu.wait_dma2 semaphore(%run_scoped3A : memref<!tpu.dma_semaphore, #tpu.memory_space<semaphore_mem>>) src(%dma_wait3A_70 : memref<40x128xi32, #tpu.memory_space<hbm>>) dst(%arg9 : memref<40x128xi32, #tpu.memory_space<vmem>>)
      tpu.yield
    }) : () -> ()
    %dma_start3A_24 = arith.constant 0 : i32
    %dma_start3A_25 = arith.constant 0 : i32
    %dma_start3A_26 = tpu.memref_slice %arg8[%dma_start3A_24, %dma_start3A_25] : memref<40x128xi32, #tpu.memory_space<vmem>> -> memref<1x128xi32, #tpu.memory_space<vmem>>
    %dma_start3A_27 = tpu.memref_squeeze %dma_start3A_26 : memref<1x128xi32, #tpu.memory_space<vmem>> -> memref<128xi32, #tpu.memory_space<vmem>>
    %dma_start3A_28 = arith.constant 0 : i32
    %dma_start3A_29 = arith.constant 0 : i32
    %dma_start3A_30 = tpu.memref_slice %arg2[%arg0, %dma_start3A_28, %dma_start3A_29] : memref<2x10000x128xf32, #tpu.memory_space<hbm>> -> memref<1x10000x128xf32, #tpu.memory_space<hbm>>
    %dma_start3A_31 = tpu.memref_squeeze %dma_start3A_30 : memref<1x10000x128xf32, #tpu.memory_space<hbm>> -> memref<10000x128xf32, #tpu.memory_space<hbm>>
    %dma_start3A_32 = arith.constant 0 : i32
    %dma_start3A_33 = arith.constant 0 : i32
    %dma_start3A_34 = tpu.memref_slice %dma_start3A_31[%dma_start3A_32, %dma_start3A_33] : memref<10000x128xf32, #tpu.memory_space<hbm>> -> memref<10000x128xf32, #tpu.memory_space<hbm>>
    tpu.enqueue_indirect_dma source(%dma_start3A_34 : memref<10000x128xf32, #tpu.memory_space<hbm>>) target(%arg10 : memref<128x128xf32, #tpu.memory_space<vmem>>) offsets(%dma_start3A_27 : memref<128xi32, #tpu.memory_space<vmem>>) semaphore(%arg12 : memref<!tpu.dma_semaphore, #tpu.memory_space<semaphore_mem>>)
    %scan3A_35 = arith.constant 0 : i32
    %scan3A_36 = arith.constant 0 : i32
    %scan3A_37 = arith.constant 20 : i32
    %scan3A_38 = arith.addi %scan3A_36, %scan3A_37 : i32
    %scan3A_39 = arith.constant 1 : i32
    scf.for %scan3A_55 = %scan3A_36 to %scan3A_38 step %scan3A_39  : i32 {
      %mul3A = arith.constant 2 : i32
      %mul3A_56 = arith.muli %mul3A, %scan3A_55 : i32
      %add3A = arith.constant 1 : i32
      %add3A_57 = arith.addi %mul3A_56, %add3A : i32
      %dma_start3A_58 = arith.constant 0 : i32
      %dma_start3A_59 = tpu.memref_slice %arg8[%add3A_57, %dma_start3A_58] : memref<40x128xi32, #tpu.memory_space<vmem>> -> memref<1x128xi32, #tpu.memory_space<vmem>>
      %dma_start3A_60 = tpu.memref_squeeze %dma_start3A_59 : memref<1x128xi32, #tpu.memory_space<vmem>> -> memref<128xi32, #tpu.memory_space<vmem>>
      %dma_start3A_61 = arith.constant 0 : i32
      %dma_start3A_62 = arith.constant 0 : i32
      %dma_start3A_63 = tpu.memref_slice %arg2[%arg0, %dma_start3A_61, %dma_start3A_62] : memref<2x10000x128xf32, #tpu.memory_space<hbm>> -> memref<1x10000x128xf32, #tpu.memory_space<hbm>>
      %dma_start3A_64 = tpu.memref_squeeze %dma_start3A_63 : memref<1x10000x128xf32, #tpu.memory_space<hbm>> -> memref<10000x128xf32, #tpu.memory_space<hbm>>
      %dma_start3A_65 = arith.constant 0 : i32
      %dma_start3A_66 = arith.constant 0 : i32
      %dma_start3A_67 = tpu.memref_slice %dma_start3A_64[%dma_start3A_65, %dma_start3A_66] : memref<10000x128xf32, #tpu.memory_space<hbm>> -> memref<10000x128xf32, #tpu.memory_space<hbm>>
      tpu.enqueue_indirect_dma source(%dma_start3A_67 : memref<10000x128xf32, #tpu.memory_space<hbm>>) target(%arg11 : memref<128x128xf32, #tpu.memory_space<vmem>>) offsets(%dma_start3A_60 : memref<128xi32, #tpu.memory_space<vmem>>) semaphore(%arg13 : memref<!tpu.dma_semaphore, #tpu.memory_space<semaphore_mem>>)
      %dma_wait3A_68 = arith.constant 0 : i32
      %dma_wait3A_69 = arith.constant 0 : i32
      %dma_wait3A_70 = tpu.memref_slice %arg2[%arg0, %dma_wait3A_68, %dma_wait3A_69] : memref<2x10000x128xf32, #tpu.memory_space<hbm>> -> memref<1x128x128xf32, #tpu.memory_space<hbm>>
      %dma_wait3A_71 = tpu.memref_squeeze %dma_wait3A_70 : memref<1x128x128xf32, #tpu.memory_space<hbm>> -> memref<128x128xf32, #tpu.memory_space<hbm>>
      %dma_wait3A_72 = arith.constant 0 : i32
      %dma_wait3A_73 = arith.constant 0 : i32
      %dma_wait3A_74 = tpu.memref_slice %arg2[%arg0, %dma_wait3A_72, %dma_wait3A_73] : memref<2x10000x128xf32, #tpu.memory_space<hbm>> -> memref<1x128x128xf32, #tpu.memory_space<hbm>>
      %dma_wait3A_75 = tpu.memref_squeeze %dma_wait3A_74 : memref<1x128x128xf32, #tpu.memory_space<hbm>> -> memref<128x128xf32, #tpu.memory_space<hbm>>
      tpu.wait_dma2 semaphore(%arg12 : memref<!tpu.dma_semaphore, #tpu.memory_space<semaphore_mem>>) src(%dma_wait3A_75 : memref<128x128xf32, #tpu.memory_space<hbm>>) dst(%arg10 : memref<128x128xf32, #tpu.memory_space<vmem>>)
      %dma_start3A_76 = arith.constant 0 : i32
      %dma_start3A_77 = tpu.memref_slice %arg9[%mul3A_56, %dma_start3A_76] : memref<40x128xi32, #tpu.memory_space<vmem>> -> memref<1x128xi32, #tpu.memory_space<vmem>>
      %dma_start3A_78 = tpu.memref_squeeze %dma_start3A_77 : memref<1x128xi32, #tpu.memory_space<vmem>> -> memref<128xi32, #tpu.memory_space<vmem>>
      %dma_start3A_79 = arith.constant 0 : i32
      %dma_start3A_80 = arith.constant 0 : i32
      %dma_start3A_81 = tpu.memref_slice %arg7[%dma_start3A_79, %dma_start3A_80] : memref<10128x128xf32, #tpu.memory_space<vmem_shared>> -> memref<10128x128xf32, #tpu.memory_space<vmem_shared>>
      tpu.enqueue_indirect_dma source(%arg10 : memref<128x128xf32, #tpu.memory_space<vmem>>) target(%dma_start3A_81 : memref<10128x128xf32, #tpu.memory_space<vmem_shared>>) offsets(%dma_start3A_78 : memref<128xi32, #tpu.memory_space<vmem>>) semaphore(%arg14 : memref<!tpu.dma_semaphore, #tpu.memory_space<semaphore_mem>>) {add = true}
      %dma_wait3A_82 = arith.constant 0 : i32
      %dma_wait3A_83 = tpu.memref_slice %arg9[%mul3A_56, %dma_wait3A_82] : memref<40x128xi32, #tpu.memory_space<vmem>> -> memref<1x128xi32, #tpu.memory_space<vmem>>
      %dma_wait3A_84 = tpu.memref_squeeze %dma_wait3A_83 : memref<1x128xi32, #tpu.memory_space<vmem>> -> memref<128xi32, #tpu.memory_space<vmem>>
      %dma_wait3A_85 = arith.constant 0 : i32
      %dma_wait3A_86 = arith.constant 0 : i32
      %dma_wait3A_87 = tpu.memref_slice %arg7[%dma_wait3A_85, %dma_wait3A_86] : memref<10128x128xf32, #tpu.memory_space<vmem_shared>> -> memref<10128x128xf32, #tpu.memory_space<vmem_shared>>
      tpu.wait_indirect_dma semaphore(%arg14 : memref<!tpu.dma_semaphore, #tpu.memory_space<semaphore_mem>>) src(%arg10 : memref<128x128xf32, #tpu.memory_space<vmem>>) dst(%dma_wait3A_87 : memref<10128x128xf32, #tpu.memory_space<vmem_shared>>)
      %add3A_88 = arith.constant 2 : i32
      %add3A_89 = arith.addi %mul3A_56, %add3A_88 : i32
      %min3A = arith.constant 39 : i32
      %min3A_90 = arith.minsi %add3A_89, %min3A : i32
      %dma_start3A_91 = arith.constant 0 : i32
      %dma_start3A_92 = tpu.memref_slice %arg8[%min3A_90, %dma_start3A_91] : memref<40x128xi32, #tpu.memory_space<vmem>> -> memref<1x128xi32, #tpu.memory_space<vmem>>
      %dma_start3A_93 = tpu.memref_squeeze %dma_start3A_92 : memref<1x128xi32, #tpu.memory_space<vmem>> -> memref<128xi32, #tpu.memory_space<vmem>>
      %dma_start3A_94 = arith.constant 0 : i32
      %dma_start3A_95 = arith.constant 0 : i32
      %dma_start3A_96 = tpu.memref_slice %arg2[%arg0, %dma_start3A_94, %dma_start3A_95] : memref<2x10000x128xf32, #tpu.memory_space<hbm>> -> memref<1x10000x128xf32, #tpu.memory_space<hbm>>
      %dma_start3A_97 = tpu.memref_squeeze %dma_start3A_96 : memref<1x10000x128xf32, #tpu.memory_space<hbm>> -> memref<10000x128xf32, #tpu.memory_space<hbm>>
      %dma_start3A_98 = arith.constant 0 : i32
      %dma_start3A_99 = arith.constant 0 : i32
      %dma_start3A_100 = tpu.memref_slice %dma_start3A_97[%dma_start3A_98, %dma_start3A_99] : memref<10000x128xf32, #tpu.memory_space<hbm>> -> memref<10000x128xf32, #tpu.memory_space<hbm>>
      tpu.enqueue_indirect_dma source(%dma_start3A_100 : memref<10000x128xf32, #tpu.memory_space<hbm>>) target(%arg10 : memref<128x128xf32, #tpu.memory_space<vmem>>) offsets(%dma_start3A_93 : memref<128xi32, #tpu.memory_space<vmem>>) semaphore(%arg12 : memref<!tpu.dma_semaphore, #tpu.memory_space<semaphore_mem>>)
      %dma_wait3A_101 = arith.constant 0 : i32
      %dma_wait3A_102 = arith.constant 0 : i32
      %dma_wait3A_103 = tpu.memref_slice %arg2[%arg0, %dma_wait3A_101, %dma_wait3A_102] : memref<2x10000x128xf32, #tpu.memory_space<hbm>> -> memref<1x128x128xf32, #tpu.memory_space<hbm>>
      %dma_wait3A_104 = tpu.memref_squeeze %dma_wait3A_103 : memref<1x128x128xf32, #tpu.memory_space<hbm>> -> memref<128x128xf32, #tpu.memory_space<hbm>>
      %dma_wait3A_105 = arith.constant 0 : i32
      %dma_wait3A_106 = arith.constant 0 : i32
      %dma_wait3A_107 = tpu.memref_slice %arg2[%arg0, %dma_wait3A_105, %dma_wait3A_106] : memref<2x10000x128xf32, #tpu.memory_space<hbm>> -> memref<1x128x128xf32, #tpu.memory_space<hbm>>
      %dma_wait3A_108 = tpu.memref_squeeze %dma_wait3A_107 : memref<1x128x128xf32, #tpu.memory_space<hbm>> -> memref<128x128xf32, #tpu.memory_space<hbm>>
      tpu.wait_dma2 semaphore(%arg13 : memref<!tpu.dma_semaphore, #tpu.memory_space<semaphore_mem>>) src(%dma_wait3A_108 : memref<128x128xf32, #tpu.memory_space<hbm>>) dst(%arg11 : memref<128x128xf32, #tpu.memory_space<vmem>>)
      %add3A_109 = arith.constant 1 : i32
      %add3A_110 = arith.addi %mul3A_56, %add3A_109 : i32
      %dma_start3A_111 = arith.constant 0 : i32
      %dma_start3A_112 = tpu.memref_slice %arg9[%add3A_110, %dma_start3A_111] : memref<40x128xi32, #tpu.memory_space<vmem>> -> memref<1x128xi32, #tpu.memory_space<vmem>>
      %dma_start3A_113 = tpu.memref_squeeze %dma_start3A_112 : memref<1x128xi32, #tpu.memory_space<vmem>> -> memref<128xi32, #tpu.memory_space<vmem>>
      %dma_start3A_114 = arith.constant 0 : i32
      %dma_start3A_115 = arith.constant 0 : i32
      %dma_start3A_116 = tpu.memref_slice %arg7[%dma_start3A_114, %dma_start3A_115] : memref<10128x128xf32, #tpu.memory_space<vmem_shared>> -> memref<10128x128xf32, #tpu.memory_space<vmem_shared>>
      tpu.enqueue_indirect_dma source(%arg11 : memref<128x128xf32, #tpu.memory_space<vmem>>) target(%dma_start3A_116 : memref<10128x128xf32, #tpu.memory_space<vmem_shared>>) offsets(%dma_start3A_113 : memref<128xi32, #tpu.memory_space<vmem>>) semaphore(%arg14 : memref<!tpu.dma_semaphore, #tpu.memory_space<semaphore_mem>>) {add = true}
      %dma_wait3A_117 = arith.constant 0 : i32
      %dma_wait3A_118 = tpu.memref_slice %arg9[%add3A_110, %dma_wait3A_117] : memref<40x128xi32, #tpu.memory_space<vmem>> -> memref<1x128xi32, #tpu.memory_space<vmem>>
      %dma_wait3A_119 = tpu.memref_squeeze %dma_wait3A_118 : memref<1x128xi32, #tpu.memory_space<vmem>> -> memref<128xi32, #tpu.memory_space<vmem>>
      %dma_wait3A_120 = arith.constant 0 : i32
      %dma_wait3A_121 = arith.constant 0 : i32
      %dma_wait3A_122 = tpu.memref_slice %arg7[%dma_wait3A_120, %dma_wait3A_121] : memref<10128x128xf32, #tpu.memory_space<vmem_shared>> -> memref<10128x128xf32, #tpu.memory_space<vmem_shared>>
      tpu.wait_indirect_dma semaphore(%arg14 : memref<!tpu.dma_semaphore, #tpu.memory_space<semaphore_mem>>) src(%arg11 : memref<128x128xf32, #tpu.memory_space<vmem>>) dst(%dma_wait3A_122 : memref<10128x128xf32, #tpu.memory_space<vmem_shared>>)
    }
    %scan3A_40 = arith.constant 20 : i32
    %dma_wait3A_41 = arith.constant 0 : i32
    %dma_wait3A_42 = arith.constant 0 : i32
    %dma_wait3A_43 = tpu.memref_slice %arg2[%arg0, %dma_wait3A_41, %dma_wait3A_42] : memref<2x10000x128xf32, #tpu.memory_space<hbm>> -> memref<1x128x128xf32, #tpu.memory_space<hbm>>
    %dma_wait3A_44 = tpu.memref_squeeze %dma_wait3A_43 : memref<1x128x128xf32, #tpu.memory_space<hbm>> -> memref<128x128xf32, #tpu.memory_space<hbm>>
    %dma_wait3A_45 = arith.constant 0 : i32
    %dma_wait3A_46 = arith.constant 0 : i32
    %dma_wait3A_47 = tpu.memref_slice %arg2[%arg0, %dma_wait3A_45, %dma_wait3A_46] : memref<2x10000x128xf32, #tpu.memory_space<hbm>> -> memref<1x128x128xf32, #tpu.memory_space<hbm>>
    %dma_wait3A_48 = tpu.memref_squeeze %dma_wait3A_47 : memref<1x128x128xf32, #tpu.memory_space<hbm>> -> memref<128x128xf32, #tpu.memory_space<hbm>>
    tpu.wait_dma2 semaphore(%arg12 : memref<!tpu.dma_semaphore, #tpu.memory_space<semaphore_mem>>) src(%dma_wait3A_48 : memref<128x128xf32, #tpu.memory_space<hbm>>) dst(%arg10 : memref<128x128xf32, #tpu.memory_space<vmem>>)
    %barrier3A_49 = arith.constant 0 : index
    tpu.barrier barrier_id(%barrier3A_49)
    %eq3A_50 = arith.constant 0 : i32
    %eq3A_51 = arith.cmpi eq, %arg1, %eq3A_50 : i32
    %convert_element_type3A_52 = arith.extui %eq3A_51 : i1 to i32
    %cond3A_53 = arith.constant 0 : i32
    %cond3A_54 = arith.cmpi ne, %convert_element_type3A_52, %cond3A_53 : i32
    scf.if %cond3A_54 {
      "tpu.region"() ({
        %run_scoped3A = tpu.sem_alloc : memref<!tpu.dma_semaphore, #tpu.memory_space<semaphore_mem>>
        %dma_start3A_55 = arith.constant 0 : i32
        %dma_start3A_56 = arith.constant 0 : i32
        %dma_start3A_57 = tpu.memref_slice %arg6[%arg0, %dma_start3A_55, %dma_start3A_56] : memref<2x10128x128xf32, #tpu.memory_space<hbm>> -> memref<1x10128x128xf32, #tpu.memory_space<hbm>>
        %dma_start3A_58 = tpu.memref_squeeze %dma_start3A_57 : memref<1x10128x128xf32, #tpu.memory_space<hbm>> -> memref<10128x128xf32, #tpu.memory_space<hbm>>
        tpu.enqueue_dma source(%arg7 : memref<10128x128xf32, #tpu.memory_space<vmem_shared>>) target(%dma_start3A_58 : memref<10128x128xf32, #tpu.memory_space<hbm>>) target_semaphore(%run_scoped3A : memref<!tpu.dma_semaphore, #tpu.memory_space<semaphore_mem>>)
        %dma_wait3A_59 = arith.constant 0 : i32
        %dma_wait3A_60 = arith.constant 0 : i32
        %dma_wait3A_61 = tpu.memref_slice %arg6[%arg0, %dma_wait3A_59, %dma_wait3A_60] : memref<2x10128x128xf32, #tpu.memory_space<hbm>> -> memref<1x10128x128xf32, #tpu.memory_space<hbm>>
        %dma_wait3A_62 = tpu.memref_squeeze %dma_wait3A_61 : memref<1x10128x128xf32, #tpu.memory_space<hbm>> -> memref<10128x128xf32, #tpu.memory_space<hbm>>
        tpu.wait_dma2 semaphore(%run_scoped3A : memref<!tpu.dma_semaphore, #tpu.memory_space<semaphore_mem>>) src(%arg7 : memref<10128x128xf32, #tpu.memory_space<vmem_shared>>) dst(%dma_wait3A_62 : memref<10128x128xf32, #tpu.memory_space<hbm>>)
        tpu.yield
      }) : () -> ()
    } else {
    }
    return
  }
}

module attributes {stable_mosaic.version = 14 : i64} {
  func.func @_tc_body(%arg0: i32, %arg1: memref<1000x128xf32, #tpu.memory_space<vmem>>, %arg2: memref<1000x128xf32, #tpu.memory_space<vmem>>, %arg3: memref<1000x32xf32, #tpu.memory_space<vmem>>, %arg4: memref<1000x256xf32, #tpu.memory_space<vmem>>, %arg5: memref<128x256xf32, #tpu.memory_space<vmem>>, %arg6: memref<128x256xf32, #tpu.memory_space<vmem>>, %arg7: memref<256x256xf32, #tpu.memory_space<vmem>>, %arg8: memref<8x256xf32, #tpu.memory_space<vmem>>, %arg9: memref<1000x256xf32, #tpu.memory_space<vmem>>) attributes {dimension_semantics = [#tpu.dimension_semantics<arbitrary>], iteration_bounds = array<i64: 10>, scalar_prefetch = 0 : i64, scratch_operands = 0 : i64, tpu.core_type = #tpu.core_type<tc>, window_params = [{transform_indices = @transform_0, window_bounds = array<i64: 1000, 128>}, {transform_indices = @transform_1, window_bounds = array<i64: 1000, 128>}, {transform_indices = @transform_2, window_bounds = array<i64: 1000, 32>}, {transform_indices = @transform_3, window_bounds = array<i64: 1000, 256>}, {pipeline_mode = #tpu.pipeline_mode<synchronous>, transform_indices = @transform_4, window_bounds = array<i64: 128, 256>}, {pipeline_mode = #tpu.pipeline_mode<synchronous>, transform_indices = @transform_5, window_bounds = array<i64: 128, 256>}, {pipeline_mode = #tpu.pipeline_mode<synchronous>, transform_indices = @transform_6, window_bounds = array<i64: 256, 256>}, {pipeline_mode = #tpu.pipeline_mode<synchronous>, transform_indices = @transform_7, window_bounds = array<i64: 8, 256>}, {transform_indices = @transform_8, window_bounds = array<i64: 1000, 256>}]} {
    %get3A = arith.constant 0 : index
    %get3A_0 = arith.constant 0 : index
    %get3A_1 = vector.load %arg3[%get3A, %get3A_0] : memref<1000x32xf32, #tpu.memory_space<vmem>>, vector<1000x32xf32>
    %reduce_sum3A = arith.constant dense<0.000000e+00> : vector<1000xf32>
    %reduce_sum3A_2 = vector.multi_reduction <add>, %get3A_1, %reduce_sum3A [1] : vector<1000x32xf32> to vector<1000xf32>
    %broadcast_in_dim3A = vector.shape_cast %reduce_sum3A_2 : vector<1000xf32> to vector<1000x1xf32>
    %max3A = arith.constant 1.000000e+00 : f32
    %max3A_3 = vector.broadcast %max3A : f32 to vector<1000x1xf32>
    %max3A_4 = arith.maximumf %broadcast_in_dim3A, %max3A_3 : vector<1000x1xf32>
    %get3A_5 = arith.constant 0 : index
    %get3A_6 = arith.constant 0 : index
    %get3A_7 = vector.load %arg1[%get3A_5, %get3A_6] : memref<1000x128xf32, #tpu.memory_space<vmem>>, vector<1000x128xf32>
    %get3A_8 = arith.constant 0 : index
    %get3A_9 = arith.constant 0 : index
    %get3A_10 = vector.load %arg5[%get3A_8, %get3A_9] : memref<128x256xf32, #tpu.memory_space<vmem>>, vector<128x256xf32>
    %dot_general3A = arith.constant dense<0.000000e+00> : vector<1000x256xf32>
    %dot_general3A_11 = tpu.matmul %get3A_7, %get3A_10, %dot_general3A {dimension_numbers = #tpu.dot_dimension_numbers<[1], [0], [0], [1], [0, 0, 1, 1], [], []>, transpose_lhs_hint = false} : vector<1000x128xf32>, vector<128x256xf32>, vector<1000x256xf32> -> vector<1000x256xf32>
    %get3A_12 = arith.constant 0 : index
    %get3A_13 = arith.constant 0 : index
    %get3A_14 = vector.load %arg2[%get3A_12, %get3A_13] : memref<1000x128xf32, #tpu.memory_space<vmem>>, vector<1000x128xf32>
    %get3A_15 = arith.constant 0 : index
    %get3A_16 = arith.constant 0 : index
    %get3A_17 = vector.load %arg6[%get3A_15, %get3A_16] : memref<128x256xf32, #tpu.memory_space<vmem>>, vector<128x256xf32>
    %dot_general3A_18 = arith.constant dense<0.000000e+00> : vector<1000x256xf32>
    %dot_general3A_19 = tpu.matmul %get3A_14, %get3A_17, %dot_general3A_18 {dimension_numbers = #tpu.dot_dimension_numbers<[1], [0], [0], [1], [0, 0, 1, 1], [], []>, transpose_lhs_hint = false} : vector<1000x128xf32>, vector<128x256xf32>, vector<1000x256xf32> -> vector<1000x256xf32>
    %add3A = arith.addf %dot_general3A_11, %dot_general3A_19 : vector<1000x256xf32>
    %get3A_20 = arith.constant 0 : index
    %get3A_21 = arith.constant 0 : index
    %get3A_22 = vector.load %arg4[%get3A_20, %get3A_21] : memref<1000x256xf32, #tpu.memory_space<vmem>>, vector<1000x256xf32>
    %get3A_23 = arith.constant 0 : index
    %get3A_24 = arith.constant 0 : index
    %get3A_25 = vector.load %arg7[%get3A_23, %get3A_24] : memref<256x256xf32, #tpu.memory_space<vmem>>, vector<256x256xf32>
    %dot_general3A_26 = arith.constant dense<0.000000e+00> : vector<1000x256xf32>
    %dot_general3A_27 = tpu.matmul %get3A_22, %get3A_25, %dot_general3A_26 {dimension_numbers = #tpu.dot_dimension_numbers<[1], [0], [0], [1], [0, 0, 1, 1], [], []>, transpose_lhs_hint = false} : vector<1000x256xf32>, vector<256x256xf32>, vector<1000x256xf32> -> vector<1000x256xf32>
    %div3A = vector.broadcast %max3A_4 : vector<1000x1xf32> to vector<1000x256xf32>
    %div3A_28 = arith.divf %add3A, %div3A : vector<1000x256xf32>
    %add3A_29 = arith.addf %div3A_28, %dot_general3A_27 : vector<1000x256xf32>
    %get3A_30 = arith.constant 0 : index
    %get3A_31 = arith.constant 0 : index
    %get3A_32 = vector.load %arg8[%get3A_30, %get3A_31] : memref<8x256xf32, #tpu.memory_space<vmem>>, vector<1x256xf32>
    %add3A_33 = vector.broadcast %get3A_32 : vector<1x256xf32> to vector<1000x256xf32>
    %add3A_34 = arith.addf %add3A_29, %add3A_33 : vector<1000x256xf32>
    %max3A_35 = arith.constant 0.000000e+00 : f32
    %max3A_36 = vector.broadcast %max3A_35 : f32 to vector<1000x256xf32>
    %max3A_37 = arith.maximumf %add3A_34, %max3A_36 : vector<1000x256xf32>
    %swap3A = arith.constant 0 : index
    %swap3A_38 = arith.constant 0 : index
    %swap3A_39 = vector.load %arg9[%swap3A, %swap3A_38] : memref<1000x256xf32, #tpu.memory_space<vmem>>, vector<1000x256xf32>
    tpu.vector_store %arg9[%swap3A, %swap3A_38], %max3A_37 {strides = array<i32>} : memref<1000x256xf32, #tpu.memory_space<vmem>>, vector<1000x256xf32>,
    return
  }
  func.func @transform_0(%arg0: i32) -> (i32, i32) {
    %c0_i32 = arith.constant 0 : i32
    %c0_i32_0 = arith.constant 0 : i32
    return %arg0, %c0_i32 : i32, i32
  }
  func.func @transform_1(%arg0: i32) -> (i32, i32) {
    %c0_i32 = arith.constant 0 : i32
    %c0_i32_0 = arith.constant 0 : i32
    return %arg0, %c0_i32 : i32, i32
  }
  func.func @transform_2(%arg0: i32) -> (i32, i32) {
    %c0_i32 = arith.constant 0 : i32
    %c0_i32_0 = arith.constant 0 : i32
    return %arg0, %c0_i32 : i32, i32
  }
  func.func @transform_3(%arg0: i32) -> (i32, i32) {
    %c0_i32 = arith.constant 0 : i32
    %c0_i32_0 = arith.constant 0 : i32
    return %arg0, %c0_i32 : i32, i32
  }
  func.func @transform_4(%arg0: i32) -> (i32, i32) {
    %c0_i32 = arith.constant 0 : i32
    %c0_i32_0 = arith.constant 0 : i32
    %c0_i32_1 = arith.constant 0 : i32
    return %c0_i32, %c0_i32_0 : i32, i32
  }
  func.func @transform_5(%arg0: i32) -> (i32, i32) {
    %c0_i32 = arith.constant 0 : i32
    %c0_i32_0 = arith.constant 0 : i32
    %c0_i32_1 = arith.constant 0 : i32
    return %c0_i32, %c0_i32_0 : i32, i32
  }
  func.func @transform_6(%arg0: i32) -> (i32, i32) {
    %c0_i32 = arith.constant 0 : i32
    %c0_i32_0 = arith.constant 0 : i32
    %c0_i32_1 = arith.constant 0 : i32
    return %c0_i32, %c0_i32_0 : i32, i32
  }
  func.func @transform_7(%arg0: i32) -> (i32, i32) {
    %c0_i32 = arith.constant 0 : i32
    %c0_i32_0 = arith.constant 0 : i32
    %c0_i32_1 = arith.constant 0 : i32
    return %c0_i32, %c0_i32_0 : i32, i32
  }
  func.func @transform_8(%arg0: i32) -> (i32, i32) {
    %c0_i32 = arith.constant 0 : i32
    %c0_i32_0 = arith.constant 0 : i32
    return %arg0, %c0_i32 : i32, i32
  }
}

</mosaic_0001>

<sc_bundles>
// kernel: kernel.5.cloned.1.call-start
scs
__scs_entry_jumppad:
0x0: {  	(pc) =	sbr.rel $0x88, $3  }
0x1: {  	(tag) =	ssettag $0x0;
	lr =	simm.s32 $0x1  }
0x2: {  	[smem:$0x3F9C] =	sst lr;
	_ =	strace $0xD0000000  }
0x3: {  	_ = 	snop  }
0x4: {  	_ = 	snop  }
0x5: {  	_ = 	snop  }
0x6: {  	_ = 	snop  }
0x7: {  	_ = 	snop  }
__scs_overlays_trampoline_lowered:
0x8: {  	[smem:$0x3FAB] =	sst s0  }
0x9: {  	[smem:$0x3FAC] =	sst s1  }
0xa: {  	[smem:$0x3FAD] =	sst s2  }
0xb: {  	[smem:$0x3FAE] =	sst s3  }
0xc: {  	[smem:$0x3FAF] =	sst s4  }
0xd: {  	[smem:$0x3FB0] =	sst s5  }
0xe: {  	[smem:$0x3FB1] =	sst s6  }
0xf: {  	[smem:$0x3FB2] =	sst s7  }
0x10: {  	[smem:$0x3FB3] =	sst s8  }
0x11: {  	[smem:$0x3FB4] =	sst s9;
	s0 =	simm.s32 @!p0 $0x0  }
0x12: {  	s1 =	sld [smem:$0x3F9A];
	s0 =	simm.s32 @p0 $0x1  }
0x13: {  	[smem:$0x3FB5] =	sst s0;
	s0 =	simm.s32 @!p1 $0x0  }
0x14: {  	s2 =	sld [smem:$0x3F99];
	s0 =	simm.s32 @p1 $0x1  }
0x15: {  	[smem:$0x3FB6] =	sst s0;
	s0 =	simm.s32 @!p2 $0x0  }
0x16: {  	s3 =	sld [smem:$0x3FDB];
	s0 =	simm.s32 @p2 $0x1  }
0x17: {  	s4 =	simm.s32 $0x1BF5;
	[smem:$0x3FB8] =	sst s0  }
0x18: {  	s0 =	sld [smem:$0x3F9B];
	_ =	swait.ge [sflag:s4], $0x0  }
0x19: {  	s7 =	sld [smem:$0x3F9C]  }
0x1a: {  	s8 =	sadd.s32 $0xFFFFE003, lr  }
0x1b: {  	s9 =	sadd.s32 $0xFFFFFEF7, lr;
	s5 =	simm.s32 $0xFFFFFFFF;
	p2 =	slt.u32 s8, $0xFFFFF086  }
0x1c: {  	p1 =	slt.u32 s9, $0xF7A;
	s5 =	simm.s32 @!p2 $0x0  }
0x1d: {  	s5 =	simm.s32 @p1 $0x1;
	p0 =	seq.s32 s7, s2  }
0x1e: {  	s7 =	smul.u32 @!p0 $0xF7A, s2;
	p2 =	seq.s32 @!p0 s5, $0x0  }
0x1f: {  	s9 =	smul.u32 $0xF7A, s1;
	s8 =	simm.s32 @!p0 $0x1BF5;
	p2 =	por !p2, p0  }
0x20: {  	[sflag:s8] =	ssyncset.s32 @!p0 $0xFFFFF086;
	s6 =	sadd.s32 @!p0 s3, s7;
	s7 =	simm.s32 @!p0 $0x108  }
0x21: {  	s3 =	sadd.s32 s3, s9;
	s6 =	sadd.s32 @!p0 $0x88, s6;
	s7 =	simm.s32 @p2 $0x1082  }
0x22: {  	[simem:s7], [sflag:s8] =	dma.local @!p0 [hbm:s6], $0xF7A  }
0x23: {  	s9 =	sor.u32 $0xD0000000, s2;
	s6 =	simm.s32 $0x108;
	_ =	swait.ge @!p0 [sflag:s8], $0x0  }
0x24: {  	s3 =	sadd.s32 $0x88, s3;
	s6 =	simm.s32 @!p1 $0x1082;
	[sflag:s4] =	ssyncset.s32 $0xFFFFF086  }
0x25: {  	[simem:s6], [sflag:s4] =	dma.local [hbm:s3], $0xF7A  }
0x26: {  	[smem:$0x3F9C] =	sst s1;
	(tag) =	ssettag s2;
	_ =	strace s9  }
0x27: {  	s1 =	sld [smem:$0x3FAC]  }
0x28: {  	s2 =	sld [smem:$0x3FAD]  }
0x29: {  	s4 =	sld [smem:$0x3FAF]  }
0x2a: {  	p0 =	seq.s32 s5, $0x0;
	s5 =	sld [smem:$0x3FB0]  }
0x2b: {  	s6 =	sld [smem:$0x3FB1]  }
0x2c: {  	s7 =	sld [smem:$0x3FB2]  }
0x2d: {  	s3 =	simm.s32 $0x108;
	s8 =	sld [smem:$0x3FB3]  }
0x2e: {  	s3 =	simm.s32 @!p0 $0x1082;
	s9 =	sld [smem:$0x3FB4]  }
0x2f: {  	lr =	sadd.s32 s0, s3;
	s0 =	sld [smem:$0x3FAB]  }
0x30: {  	s3 =	sld [smem:$0x3FAE]  }
0x31: {  	[smem:$0x3FB7] =	sst s10  }
0x32: {  	s10 =	sld [smem:$0x3FB5];
	_ =	sdelay $0x3  }
0x33: {  	p0 =	seq.s32 s10, $0x1;
	s10 =	sld [smem:$0x3FB7];
	_ =	sdelay $0x3  }
0x34: {  	[smem:$0x3FB7] =	sst s10  }
0x35: {  	s10 =	sld [smem:$0x3FB6];
	_ =	sdelay $0x3  }
0x36: {  	p1 =	seq.s32 s10, $0x1;
	s10 =	sld [smem:$0x3FB7];
	_ =	sdelay $0x3  }
0x37: {  	[smem:$0x3FB7] =	sst s10  }
0x38: {  	s10 =	sld [smem:$0x3FB8]  }
0x39: {  	_ = 	snop;
	(pc) =	sbr.ind lr, $3  }
0x3a: {  	_ = 	snop  }
0x3b: {  	_ = 	snop  }
0x3c: {  	p2 =	seq.s32 s10, $0x1;
	s10 =	sld [smem:$0x3FB7]  }
0x3d: {  	_ =	shalt  }
0x3e: {  	_ =	shalt  }
0x3f: {  	_ =	shalt  }
0x40: {  	_ =	shalt  }
0x41: {  	_ =	shalt  }
0x42: {  	_ =	shalt  }
0x43: {  	_ =	shalt  }
0x44: {  	_ =	shalt  }
0x45: {  	_ =	shalt  }
0x46: {  	_ =	shalt  }
0x47: {  	_ =	shalt  }
0x48: {  	_ =	shalt  }
0x49: {  	_ =	shalt  }
0x4a: {  	_ =	shalt  }
0x4b: {  	_ =	shalt  }
0x4c: {  	_ =	shalt  }
0x4d: {  	_ =	shalt  }
0x4e: {  	_ =	shalt  }
0x4f: {  	_ =	shalt  }
0x50: {  	_ =	shalt  }
0x51: {  	_ =	shalt  }
0x52: {  	_ =	shalt  }
0x53: {  	_ =	shalt  }
0x54: {  	_ =	shalt  }
0x55: {  	_ =	shalt  }
0x56: {  	_ =	shalt  }
0x57: {  	_ =	shalt  }
0x58: {  	_ =	shalt  }
0x59: {  	_ =	shalt  }
0x5a: {  	_ =	shalt  }
0x5b: {  	_ =	shalt  }
0x5c: {  	_ =	shalt  }
0x5d: {  	_ =	shalt  }
0x5e: {  	_ =	shalt  }
0x5f: {  	_ =	shalt  }
0x60: {  	_ =	shalt  }
0x61: {  	_ =	shalt  }
0x62: {  	_ =	shalt  }
0x63: {  	_ =	shalt  }
0x64: {  	_ =	shalt  }
0x65: {  	_ =	shalt  }
0x66: {  	_ =	shalt  }
0x67: {  	_ =	shalt  }
0x68: {  	_ =	shalt  }
0x69: {  	_ =	shalt  }
0x6a: {  	_ =	shalt  }
0x6b: {  	_ =	shalt  }
0x6c: {  	_ =	shalt  }
0x6d: {  	_ =	shalt  }
0x6e: {  	_ =	shalt  }
0x6f: {  	_ =	shalt  }
0x70: {  	_ =	shalt  }
0x71: {  	_ =	shalt  }
0x72: {  	_ =	shalt  }
0x73: {  	_ =	shalt  }
0x74: {  	_ =	shalt  }
0x75: {  	_ =	shalt  }
0x76: {  	_ =	shalt  }
0x77: {  	_ =	shalt  }
0x78: {  	_ =	shalt  }
0x79: {  	_ =	shalt  }
0x7a: {  	_ =	shalt  }
0x7b: {  	_ =	shalt  }
0x7c: {  	_ =	shalt  }
0x7d: {  	_ =	shalt  }
0x7e: {  	_ =	shalt  }
0x7f: {  	_ =	shalt  }
0x80: {  	_ =	shalt  }
0x81: {  	_ =	shalt  }
0x82: {  	_ =	shalt  }
0x83: {  	_ =	shalt  }
0x84: {  	_ =	shalt  }
0x85: {  	_ =	shalt  }
0x86: {  	_ =	shalt  }
0x87: {  	_ =	shalt  }
.Lfunc_end0:
.L_simem_size_0:
called_computation_lowered:
.L_overlay_start_0:
0x88: {  	s2 =	sld [smem:$0x3FD9]  }
0x89: {  	s3 =	sld [smem:$0x3FFE];
	_ =	sdelay $0x1  }
0x8a: {  	s1 =	srdreg.scid  }
0x8b: {  	s0 =	sand.u32 $0x1, s1  }
0x8c: {  	s17 =	sshll.u32 s0, $0xA;
	s2 =	sadd.s32 s3, s2  }
0x8d: {  	s2 =	sadd.s32 s2, s17  }
0x8e: {  	[smem:$0x3FC3] =	sst s2  }
0x8f: {  	_ = 	snop  }
0x90: {  	s18 =	sld [smem:$0x3FD0];
	(tm) =	ssettm $0x1  }
0x91: {  	s19 =	sld [smem:$0x3FFB];
	_ =	sdelay $0x3  }
0x92: {  	_ =	strace s19  }
0x93: {  	s2 =	sld [smem:$0x3FFC];
	_ =	sdelay $0x3  }
0x94: {  	_ =	strace s2  }
0x95: {  	s2 =	sld [smem:$0x3FFD];
	_ =	sdelay $0x3  }
0x96: {  	_ =	strace s2  }
0x97: {  	_ =	strace $0x8FFFFFFF  }
0x98: {  	s20 =	sld [smem:$0x3FDB];
	_ =	sdelay $0x1  }
0x99: {  	s4 =	simm.s32 $_scs_section_size  }
0x9a: {  	s5 =	simm.s32 $_size__tile_overlayer_lowered;
	s6 =	simm.s32 $_tile_overlayer_lowered  }
0x9b: {  	s7 =	simm.s32 $0x1BFF;
	s21 =	sshll.u32 s6, $0x1;
	s4 =	sadd.s32 s4, s20  }
0x9c: {  	s22 =	simm.s32 $0x0;
	s5 =	sshll.u32 s5, $0x1;
	s6 =	sadd.s32 s21, s4  }
0x9d: {  	[timem:s22], [sflag:s7] =	dma.local [hbm:s6], s5  }
0x9e: {  	_ =	swait.ge [sflag:s7], s5  }
0x9f: {  	s5 =	ssub.s32 $0x0, s5;
	[sflag:s7] =	ssyncset.done $0x0  }
0xa0: {  	[sflag:s7] =	ssyncadd.s32 s5;
	_ =	sdelay $0x1  }
0xa1: {  	s23 =	simm.s32 $0x1B8B  }
0xa2: {  	_ =	swait.ge [sflag:s23], $0x1  }
0xa3: {  	[sflag:s23] =	ssyncset.done $0x0  }
0xa4: {  	[sflag:s23] =	ssyncadd.s32 $0xFFFFFFFF  }
0xa5: {  	s5 =	sld [smem:$0x0]  }
0xa6: {  	s6 =	sand.u32 $0xFFFFFFFE, s1  }
0xa7: {  	p0 =	sne.s32 s1, s6  }
0xa8: {  	s6 =	sshll.u32 @p0 s6, $0xE  }
0xa9: {  	s6 =	sadd.s32 @p0 $0x11B8D, s6;
	s7 =	sshll.u32 @p0 s5, $0x11  }
0xaa: {  	s6 =	sor.u32 @p0 s7, s6  }
0xab: {  	[sflag:s6] =	ssyncadd.remote.s32 @p0 $0x1;
	_ =	sdelay $0x1  }
0xac: {  	s6 =	simm.s32 @p0 $0x1B8D  }
0xad: {  	_ =	swait.eq @p0 [sflag:s6], $0x1  }
0xae: {  	[sflag:s6] =	ssyncadd.s32 @p0 $0xFFFFFFFF  }
0xaf: {  	s7 =	sshll.u32 @!p0 s1, $0xE  }
0xb0: {  	s7 =	sor.u32 @!p0 $0x4000, s7;
	s6 =	simm.s32 @!p0 $0x1B8D  }
0xb1: {  	s5 =	sshll.u32 @!p0 s5, $0x11;
	s7 =	sadd.s32 @!p0 $0x11B8D, s7;
	_ =	swait.eq @!p0 [sflag:s6], $0x1  }
0xb2: {  	s5 =	sor.u32 @!p0 s5, s7;
	[sflag:s6] =	ssyncadd.s32 @!p0 $0xFFFFFFFF  }
0xb3: {  	s25 =	simm.s32 $0x1B8E;
	s24 =	sld [smem:$0x3FFE];
	[sflag:s5] =	ssyncadd.remote.s32 @!p0 $0x1  }
0xb4: {  	s26 =	simm.s32 $execute0_lowered;
	[smem:$0x3FD2] =	sst s25  }
0xb5: {  	s6 =	sshll.u32 s26, $0x1;
	_ =	strace $0x80000049;
	[dreg:$0x1] =	wrdreg $0xFFFFFFFF  }
0xb6: {  	s28 =	simm.s32 $_size_execute0_lowered;
	s4 =	sadd.s32 s4, s6;
	[dreg:$0x0] =	wrdreg $0x0  }
0xb7: {  	s6 =	sshll.u32 s28, $0x1;
	[dreg:$0x2] =	wrdreg s4  }
0xb8: {  	[dreg:$0x3] =	wrdreg s6  }
0xb9: {  	[dreg:$0x4] =	wrdreg $0xC0  }
0xba: {  	_ =	task [dreg:s22], $0x5FFFF  }
0xbb: {  	[dreg:$0x1] =	wrdreg $0xFFFFFFFF  }
0xbc: {  	[dreg:$0x0] =	wrdreg $0x60  }
0xbd: {  	[dreg:$0x2] =	wrdreg s18  }
0xbe: {  	[dreg:$0x3] =	wrdreg s24  }
0xbf: {  	[dreg:$0x4] =	wrdreg $0x0  }
0xc0: {  	[dreg:$0x5] =	wrdreg $0x9  }
0xc1: {  	_ =	task.clear_ibuf [dreg:s22], $0x6FFFF;
	_ =	strace $0x90000049  }
0xc2: {  	s29 =	simm.s32 $0x9;
	_ =	strace $0x8000004B  }
0xc3: {  	_ =	swait.ge [sflag:s29], $0x1  }
0xc4: {  	[sflag:s29] =	ssyncadd.s32 $0xFFFFFFFF  }
0xc5: {  	_ =	strace $0x9000004B  }
0xc6: {  	_ =	sfence  }
0xc7: {  	s30 =	sld [smem:$0x0];
	_ =	sdelay $0x2  }
0xc8: {  	s31 =	sshll.u32 s1, $0xD;
	s1 =	sshrl.u32 s1, $0x2  }
0xc9: {  	s4 =	sand.u32 $0x4000, s31;
	s1 =	sadd.s32 s1, s30  }
0xca: {  	s0 =	sor.u32 s4, s0;
	s1 =	sshll.u32 s1, $0x11  }
0xcb: {  	s0 =	sor.u32 s1, s0  }
0xcc: {  	s0 =	sadd.s32 $0x8F2B, s0  }
0xcd: {  	[sflag:s0] =	ssyncadd.remote.s32 $0x1  }
0xce: {  	_ =	sfence.sel $0xFFFF  }
0xcf: {  	[dreg:$0x0] =	wrdreg $0xFFFFFFFF;
	(pc) =	sbr.abs _section_cstart, $3  }
0xd0: {  	[dreg:$0x1] =	wrdreg $0xFFFFFFFF  }
0xd1: {  	_ =	task.clear_ibuf [dreg:s22], $0x2FFFF;
	_ =	strace $0x9FFFFFFF  }
0xd2: {  	(tm) =	ssettm $0x7FFFFFFF  }
0xd3: {  	_ =	shalt  }
tec
execute0_lowered:
.L_overlay_start_1:
0x0: {  	(tag) =	ssettag $0x1  }
0x1: {  	s6 =	rddreg [dreg:$0x0]  }
0x2: {  	s4 =	rddreg [dreg:$0x1]  }
0x3: {  	s1 =	rddreg [dreg:$0x2]  }
0x4: {  	s0 =	rddreg [dreg:$0x3];
	s2 =	simm.s32 $0x0  }
0x5: {  	s3 =	srdreg.scid;
	s10 =	stileid.u32;
	s16 =	simm.s32 $0x16480  }
0x6: {  	s17 =	simm.s32 $0x1A480;
	s18 =	simm.s32 $0x1;
	s19 =	simm.s32 $0x3  }
0x7: {  	s20 =	simm.s32 $0x2;
	s21 =	simm.s32 $0x15000;
	s22 =	simm.s32 $0x16380  }
0x8: {  	s23 =	simm.s32 $0x16400;
	s24 =	simm.s32 $0x0;
	[smem:$0x7FF] =	sst s2  }
0x9: {  	s5 =	sand.u32 $0x1, s3;
	s8 =	sadd.s32 $0x1000, s4;
	s9 =	sadd.s32 $0x6000, s4  }
0xa: {  	s11 =	smul.u32 $0x2800, s10;
	s3 =	sadd.s32 $0x1A000, s4;
	p0 =	sne.s32 s10, $0x0  }
0xb: {  	_ =	strace $0x8000004A;
	s7 =	smul.u32 $0x27900, s5;
	s30 =	ssub.s32 $0x2, s5  }
0xc: {  	s13 =	smul.u32 $0x27100, s5;
	s31 =	sshrl.u32 s30, $0x1;
	s11 =	sshrl.u32 s11, $0x3  }
0xd: {  	s12 =	sadd.s32 s7, s4;
	s14 =	ssub.s32 s30, s31;
	s4 =	sadd.s32 s8, s11  }
0xe: {  	s15 =	sadd.s32 $0x280, s11;
	s5 =	sadd.s32 s9, s11;
	s6 =	sadd.s32 s6, s13  }
0xf: {  	s11 =	sshrl.u32 @!p0 s1, $0x3;
	s13 =	simm.s32 $0x4;
	s7 =	sadd.s32 s8, s15  }
0x10: {  	s8 =	sadd.s32 s9, s15;
	s9 =	sadd.s32 $0x41A00, s12;
	s10 =	smax.u32 s14, $0x1  }
0x11: {  	s12 =	simm.s32 $0x13C80;
	s14 =	simm.s32 $0x15080;
	s15 =	simm.s32 $0x80  }
.LBB2_1:
0x12: {  	s25 =	simm.s32 @!p0 $0x1C04  }
0x13: {  	[spmem:s11], [sflag:s25] =	dma.local @!p0 [hbm:s3], $0x27900  }
0x14: {  	s25 =	simm.s32 @!p0 $0x4  }
0x15: {  	_ =	swait.ge @!p0 [sflag:s25], $0x27900  }
0x16: {  	[sflag:s25] =	ssyncset.done @!p0 $0x0  }
0x17: {  	[sflag:s25] =	ssyncadd.s32 @!p0 $0xFFFD8700  }
0x18: {  	[bflag:$0x0] =	sbarrier.arrive $0xFFFF  }
0x19: {  	[tilespmem:s12], [sflag:$0x4] =	stream.linear.gather [hbm4b:s4+s2], $0x1400, $0x38;
	[tilespmem:$0x1E480] =	vst v63  }
0x1a: {  	_ =	swait.ge [sflag:s13], $0x1400  }
0x1b: {  	[sflag:s13] =	ssyncset.done $0x0  }
0x1c: {  	[sflag:s13] =	ssyncadd.s32 $0xFFFFEC00  }
0x1d: {  	[tilespmem:s14], [sflag:$0x4] =	stream.linear.gather [hbm4b:s5+s2], $0x1400, $0x38;
	[tilespmem:$0x1E480] =	vst v63  }
0x1e: {  	_ =	swait.ge [sflag:s13], $0x1400  }
0x1f: {  	[sflag:s13] =	ssyncset.done $0x0  }
0x20: {  	[sflag:s13] =	ssyncadd.s32 $0xFFFFEC00  }
0x21: {  	[tilespmem:s16], [sflag:$0x1] =	stream.indirect.gather [hbm4b:s6+s15], $0x80, s12, s15, $0xb8;
	[tilespmem:$0x1E480] =	vst v63  }
0x22: {  	s28 =	simm.s32 $0x13D00  }
0x23: {  	[tilespmem:s17], [sflag:$0x2] =	stream.indirect.gather [hbm4b:s6+s15], $0x80, s28, s15, $0xb8;
	[tilespmem:$0x1E480] =	vst v63  }
0x24: {  	_ =	swait.ge [sflag:s18], $0x4000  }
0x25: {  	[sflag:s18] =	ssyncset.done $0x0  }
0x26: {  	s29 =	simm.s32 $0x15080;
	[sflag:s18] =	ssyncadd.s32 $0xFFFFC000  }
0x27: {  	[spmem:s1] =	stream.indirect.scatter.add.f32 [tilespmem:s16], [sflag:$0x3], $0x80, s29, s15, $0xb8;
	[tilespmem:$0x1E480] =	vst v63  }
0x28: {  	_ =	swait.ge [sflag:s19], $0x4000  }
0x29: {  	[sflag:s19] =	ssyncset.done $0x0  }
0x2a: {  	s30 =	simm.s32 $0x13D80;
	[sflag:s19] =	ssyncadd.s32 $0xFFFFC000  }
0x2b: {  	[tilespmem:s16], [sflag:$0x1] =	stream.indirect.gather [hbm4b:s6+s15], $0x80, s30, s15, $0xb8;
	[tilespmem:$0x1E480] =	vst v63  }
0x2c: {  	_ =	swait.ge [sflag:s20], $0x4000  }
0x2d: {  	[sflag:s20] =	ssyncset.done $0x0  }
0x2e: {  	s31 =	simm.s32 $0x15100;
	[sflag:s20] =	ssyncadd.s32 $0xFFFFC000  }
0x2f: {  	[spmem:s1] =	stream.indirect.scatter.add.f32 [tilespmem:s17], [sflag:$0x3], $0x80, s31, s15, $0xb8;
	[tilespmem:$0x1E480] =	vst v63  }
0x30: {  	_ =	swait.ge [sflag:s19], $0x4000  }
0x31: {  	s26 =	simm.s32 $0x800;
	s25 =	simm.s32 $0x100;
	[sflag:s19] =	ssyncset.done $0x0  }
.LBB2_2:
0x32: {  	s28 =	sadd.s32 $0x13D00, s25  }
0x33: {  	[sflag:s19] =	ssyncadd.s32 $0xFFFFC000;
	s29 =	smov.u32 s26;
	s30 =	sadd.s32 $0x400, s26  }
0x34: {  	[tilespmem:s17], [sflag:$0x2] =	stream.indirect.gather [hbm4b:s6+s15], $0x80, s28, s15, $0xb8;
	[tilespmem:$0x1E480] =	vst v63  }
0x35: {  	p1 =	sne.s32 s26, $0x4800;
	_ =	swait.ge [sflag:s18], $0x4000  }
0x36: {  	[sflag:s18] =	ssyncset.done $0x0  }
0x37: {  	s26 =	sadd.s32 $0x15080, s25;
	[sflag:s18] =	ssyncadd.s32 $0xFFFFC000  }
0x38: {  	[spmem:s1] =	stream.indirect.scatter.add.f32 [tilespmem:s16], [sflag:$0x3], $0x80, s26, s15, $0xb8;
	[tilespmem:$0x1E480] =	vst v63  }
0x39: {  	_ =	swait.ge [sflag:s19], $0x4000  }
0x3a: {  	[sflag:s19] =	ssyncset.done $0x0  }
0x3b: {  	s26 =	sadd.s32 $0x13D80, s25;
	[sflag:s19] =	ssyncadd.s32 $0xFFFFC000  }
0x3c: {  	[tilespmem:s16], [sflag:$0x1] =	stream.indirect.gather [hbm4b:s6+s15], $0x80, s26, s15, $0xb8;
	[tilespmem:$0x1E480] =	vst v63  }
0x3d: {  	_ =	swait.ge [sflag:s20], $0x4000  }
.Ltmp0:
0x3e: {  	[sflag:s20] =	ssyncset.done $0x0;
	(pc) =	sbr.rel @p1 .LBB2_2-.Ltmp0, $4  }
0x3f: {  	s25 =	sadd.s32 $0x15100, s25;
	[sflag:s20] =	ssyncadd.s32 $0xFFFFC000  }
0x40: {  	[spmem:s1] =	stream.indirect.scatter.add.f32 [tilespmem:s17], [sflag:$0x3], $0x80, s25, s15, $0xb8;
	[tilespmem:$0x1E480] =	vst v63  }
0x41: {  	_ =	swait.ge [sflag:s19], $0x4000  }
0x42: {  	s26 =	smov.u32 s30;
	s25 =	sshra.s32 s29, $0x2;
	[sflag:s19] =	ssyncset.done $0x0  }
0x43: {  	s26 =	sadd.s32 $0x13D00, s25;
	[sflag:s19] =	ssyncadd.s32 $0xFFFFC000  }
0x44: {  	[tilespmem:s17], [sflag:$0x2] =	stream.indirect.gather [hbm4b:s6+s15], $0x80, s26, s15, $0xb8;
	[tilespmem:$0x1E480] =	vst v63  }
0x45: {  	_ =	swait.ge [sflag:s18], $0x4000  }
0x46: {  	[sflag:s18] =	ssyncset.done $0x0  }
0x47: {  	s29 =	sadd.s32 $0x15080, s25;
	[sflag:s18] =	ssyncadd.s32 $0xFFFFC000  }
0x48: {  	[spmem:s1] =	stream.indirect.scatter.add.f32 [tilespmem:s16], [sflag:$0x3], $0x80, s29, s15, $0xb8;
	[tilespmem:$0x1E480] =	vst v63  }
0x49: {  	_ =	swait.ge [sflag:s19], $0x4000  }
0x4a: {  	[sflag:s19] =	ssyncset.done $0x0  }
0x4b: {  	s30 =	sadd.s32 $0x13D80, s25;
	[sflag:s19] =	ssyncadd.s32 $0xFFFFC000  }
0x4c: {  	[tilespmem:s16], [sflag:$0x1] =	stream.indirect.gather [hbm4b:s6+s15], $0x80, s30, s15, $0xb8;
	[tilespmem:$0x1E480] =	vst v63  }
0x4d: {  	_ =	swait.ge [sflag:s20], $0x4000  }
0x4e: {  	[sflag:s20] =	ssyncset.done $0x0  }
0x4f: {  	s31 =	sadd.s32 $0x15100, s25;
	[sflag:s20] =	ssyncadd.s32 $0xFFFFC000  }
0x50: {  	[spmem:s1] =	stream.indirect.scatter.add.f32 [tilespmem:s17], [sflag:$0x3], $0x80, s31, s15, $0xb8;
	[tilespmem:$0x1E480] =	vst v63  }
0x51: {  	_ =	swait.ge [sflag:s19], $0x4000  }
0x52: {  	[sflag:s19] =	ssyncset.done $0x0  }
0x53: {  	[sflag:s19] =	ssyncadd.s32 $0xFFFFC000  }
0x54: {  	[tilespmem:s17], [sflag:$0x2] =	stream.indirect.gather [hbm4b:s6+s15], $0x80, s21, s15, $0xb8;
	[tilespmem:$0x1E480] =	vst v63  }
0x55: {  	_ =	swait.ge [sflag:s18], $0x4000  }
0x56: {  	[sflag:s18] =	ssyncset.done $0x0  }
0x57: {  	[sflag:s18] =	ssyncadd.s32 $0xFFFFC000  }
0x58: {  	[spmem:s1] =	stream.indirect.scatter.add.f32 [tilespmem:s16], [sflag:$0x3], $0x80, s22, s15, $0xb8;
	[tilespmem:$0x1E480] =	vst v63  }
0x59: {  	_ =	swait.ge [sflag:s19], $0x4000  }
0x5a: {  	[sflag:s19] =	ssyncset.done $0x0  }
0x5b: {  	[sflag:s19] =	ssyncadd.s32 $0xFFFFC000  }
0x5c: {  	[tilespmem:s16], [sflag:$0x1] =	stream.indirect.gather [hbm4b:s6+s15], $0x80, s21, s15, $0xb8;
	[tilespmem:$0x1E480] =	vst v63  }
0x5d: {  	_ =	swait.ge [sflag:s20], $0x4000  }
0x5e: {  	[sflag:s20] =	ssyncset.done $0x0  }
0x5f: {  	[sflag:s20] =	ssyncadd.s32 $0xFFFFC000  }
0x60: {  	[spmem:s1] =	stream.indirect.scatter.add.f32 [tilespmem:s17], [sflag:$0x3], $0x80, s23, s15, $0xb8;
	[tilespmem:$0x1E480] =	vst v63  }
0x61: {  	_ =	swait.ge [sflag:s19], $0x4000  }
0x62: {  	[sflag:s19] =	ssyncset.done $0x0  }
0x63: {  	[sflag:s19] =	ssyncadd.s32 $0xFFFFC000  }
0x64: {  	_ =	swait.ge [sflag:s18], $0x4000  }
0x65: {  	[sflag:s18] =	ssyncset.done $0x0  }
0x66: {  	s26 =	simm.s32 $0x0;
	[sflag:s18] =	ssyncadd.s32 $0xFFFFC000  }
0x67: {  	[tilespmem:s12], [sflag:$0x4] =	stream.linear.gather [hbm4b:s7+s26], $0x1400, $0x38;
	[tilespmem:$0x1E480] =	vst v63  }
0x68: {  	_ =	swait.ge [sflag:s13], $0x1400  }
0x69: {  	[sflag:s13] =	ssyncset.done $0x0  }
0x6a: {  	[sflag:s13] =	ssyncadd.s32 $0xFFFFEC00  }
0x6b: {  	[tilespmem:s14], [sflag:$0x4] =	stream.linear.gather [hbm4b:s8+s26], $0x1400, $0x38;
	[tilespmem:$0x1E480] =	vst v63  }
0x6c: {  	_ =	swait.ge [sflag:s13], $0x1400  }
0x6d: {  	[sflag:s13] =	ssyncset.done $0x0  }
0x6e: {  	[sflag:s13] =	ssyncadd.s32 $0xFFFFEC00  }
0x6f: {  	[tilespmem:s16], [sflag:$0x1] =	stream.indirect.gather [hbm4b:s6+s15], $0x80, s12, s15, $0xb8;
	[tilespmem:$0x1E480] =	vst v63  }
0x70: {  	s28 =	simm.s32 $0x13D00  }
0x71: {  	[tilespmem:s17], [sflag:$0x2] =	stream.indirect.gather [hbm4b:s6+s15], $0x80, s28, s15, $0xb8;
	[tilespmem:$0x1E480] =	vst v63  }
0x72: {  	_ =	swait.ge [sflag:s18], $0x4000  }
0x73: {  	[sflag:s18] =	ssyncset.done $0x0  }
0x74: {  	s29 =	simm.s32 $0x15080;
	[sflag:s18] =	ssyncadd.s32 $0xFFFFC000  }
0x75: {  	[spmem:s1] =	stream.indirect.scatter.add.f32 [tilespmem:s16], [sflag:$0x3], $0x80, s29, s15, $0xb8;
	[tilespmem:$0x1E480] =	vst v63  }
0x76: {  	_ =	swait.ge [sflag:s19], $0x4000  }
0x77: {  	[sflag:s19] =	ssyncset.done $0x0  }
0x78: {  	s30 =	simm.s32 $0x13D80;
	[sflag:s19] =	ssyncadd.s32 $0xFFFFC000  }
0x79: {  	[tilespmem:s16], [sflag:$0x1] =	stream.indirect.gather [hbm4b:s6+s15], $0x80, s30, s15, $0xb8;
	[tilespmem:$0x1E480] =	vst v63  }
0x7a: {  	_ =	swait.ge [sflag:s20], $0x4000  }
0x7b: {  	[sflag:s20] =	ssyncset.done $0x0  }
0x7c: {  	s31 =	simm.s32 $0x15100;
	[sflag:s20] =	ssyncadd.s32 $0xFFFFC000  }
0x7d: {  	[spmem:s1] =	stream.indirect.scatter.add.f32 [tilespmem:s17], [sflag:$0x3], $0x80, s31, s15, $0xb8;
	[tilespmem:$0x1E480] =	vst v63  }
0x7e: {  	_ =	swait.ge [sflag:s19], $0x4000  }
0x7f: {  	s25 =	simm.s32 $0x100;
	s26 =	simm.s32 $0x800;
	[sflag:s19] =	ssyncset.done $0x0  }
.LBB2_4:
0x80: {  	s28 =	sadd.s32 $0x13D00, s25  }
0x81: {  	[sflag:s19] =	ssyncadd.s32 $0xFFFFC000;
	s29 =	smov.u32 s26;
	s30 =	sadd.s32 $0x400, s26  }
0x82: {  	[tilespmem:s17], [sflag:$0x2] =	stream.indirect.gather [hbm4b:s6+s15], $0x80, s28, s15, $0xb8;
	[tilespmem:$0x1E480] =	vst v63  }
0x83: {  	p1 =	sne.s32 s26, $0x4800;
	_ =	swait.ge [sflag:s18], $0x4000  }
0x84: {  	[sflag:s18] =	ssyncset.done $0x0  }
0x85: {  	s26 =	sadd.s32 $0x15080, s25;
	[sflag:s18] =	ssyncadd.s32 $0xFFFFC000  }
0x86: {  	[spmem:s1] =	stream.indirect.scatter.add.f32 [tilespmem:s16], [sflag:$0x3], $0x80, s26, s15, $0xb8;
	[tilespmem:$0x1E480] =	vst v63  }
0x87: {  	_ =	swait.ge [sflag:s19], $0x4000  }
0x88: {  	[sflag:s19] =	ssyncset.done $0x0  }
0x89: {  	s26 =	sadd.s32 $0x13D80, s25;
	[sflag:s19] =	ssyncadd.s32 $0xFFFFC000  }
0x8a: {  	[tilespmem:s16], [sflag:$0x1] =	stream.indirect.gather [hbm4b:s6+s15], $0x80, s26, s15, $0xb8;
	[tilespmem:$0x1E480] =	vst v63  }
0x8b: {  	_ =	swait.ge [sflag:s20], $0x4000  }
.Ltmp1:
0x8c: {  	[sflag:s20] =	ssyncset.done $0x0;
	(pc) =	sbr.rel @p1 .LBB2_4-.Ltmp1, $4  }
0x8d: {  	s25 =	sadd.s32 $0x15100, s25;
	[sflag:s20] =	ssyncadd.s32 $0xFFFFC000  }
0x8e: {  	[spmem:s1] =	stream.indirect.scatter.add.f32 [tilespmem:s17], [sflag:$0x3], $0x80, s25, s15, $0xb8;
	[tilespmem:$0x1E480] =	vst v63  }
0x8f: {  	_ =	swait.ge [sflag:s19], $0x4000  }
0x90: {  	s26 =	smov.u32 s30;
	s25 =	sshra.s32 s29, $0x2;
	[sflag:s19] =	ssyncset.done $0x0  }
0x91: {  	s26 =	sadd.s32 $0x13D00, s25;
	[sflag:s19] =	ssyncadd.s32 $0xFFFFC000  }
0x92: {  	[tilespmem:s17], [sflag:$0x2] =	stream.indirect.gather [hbm4b:s6+s15], $0x80, s26, s15, $0xb8;
	[tilespmem:$0x1E480] =	vst v63  }
0x93: {  	_ =	swait.ge [sflag:s18], $0x4000  }
0x94: {  	[sflag:s18] =	ssyncset.done $0x0  }
0x95: {  	s29 =	sadd.s32 $0x15080, s25;
	[sflag:s18] =	ssyncadd.s32 $0xFFFFC000  }
0x96: {  	[spmem:s1] =	stream.indirect.scatter.add.f32 [tilespmem:s16], [sflag:$0x3], $0x80, s29, s15, $0xb8;
	[tilespmem:$0x1E480] =	vst v63  }
0x97: {  	_ =	swait.ge [sflag:s19], $0x4000  }
0x98: {  	[sflag:s19] =	ssyncset.done $0x0  }
0x99: {  	s30 =	sadd.s32 $0x13D80, s25;
	[sflag:s19] =	ssyncadd.s32 $0xFFFFC000  }
0x9a: {  	[tilespmem:s16], [sflag:$0x1] =	stream.indirect.gather [hbm4b:s6+s15], $0x80, s30, s15, $0xb8;
	[tilespmem:$0x1E480] =	vst v63  }
0x9b: {  	_ =	swait.ge [sflag:s20], $0x4000  }
0x9c: {  	[sflag:s20] =	ssyncset.done $0x0  }
0x9d: {  	s31 =	sadd.s32 $0x15100, s25;
	[sflag:s20] =	ssyncadd.s32 $0xFFFFC000  }
0x9e: {  	[spmem:s1] =	stream.indirect.scatter.add.f32 [tilespmem:s17], [sflag:$0x3], $0x80, s31, s15, $0xb8;
	[tilespmem:$0x1E480] =	vst v63  }
0x9f: {  	_ =	swait.ge [sflag:s19], $0x4000  }
0xa0: {  	[sflag:s19] =	ssyncset.done $0x0  }
0xa1: {  	[sflag:s19] =	ssyncadd.s32 $0xFFFFC000  }
0xa2: {  	[tilespmem:s17], [sflag:$0x2] =	stream.indirect.gather [hbm4b:s6+s15], $0x80, s21, s15, $0xb8;
	[tilespmem:$0x1E480] =	vst v63  }
0xa3: {  	_ =	swait.ge [sflag:s18], $0x4000  }
0xa4: {  	[sflag:s18] =	ssyncset.done $0x0  }
0xa5: {  	[sflag:s18] =	ssyncadd.s32 $0xFFFFC000  }
0xa6: {  	[spmem:s1] =	stream.indirect.scatter.add.f32 [tilespmem:s16], [sflag:$0x3], $0x80, s22, s15, $0xb8;
	[tilespmem:$0x1E480] =	vst v63  }
0xa7: {  	_ =	swait.ge [sflag:s19], $0x4000  }
0xa8: {  	[sflag:s19] =	ssyncset.done $0x0  }
0xa9: {  	[sflag:s19] =	ssyncadd.s32 $0xFFFFC000  }
0xaa: {  	[tilespmem:s16], [sflag:$0x1] =	stream.indirect.gather [hbm4b:s6+s15], $0x80, s21, s15, $0xb8;
	[tilespmem:$0x1E480] =	vst v63  }
0xab: {  	_ =	swait.ge [sflag:s20], $0x4000  }
0xac: {  	[sflag:s20] =	ssyncset.done $0x0  }
0xad: {  	[sflag:s20] =	ssyncadd.s32 $0xFFFFC000  }
0xae: {  	[spmem:s1] =	stream.indirect.scatter.add.f32 [tilespmem:s17], [sflag:$0x3], $0x80, s23, s15, $0xb8;
	[tilespmem:$0x1E480] =	vst v63  }
0xaf: {  	_ =	swait.ge [sflag:s19], $0x4000  }
0xb0: {  	[sflag:s19] =	ssyncset.done $0x0  }
0xb1: {  	[sflag:s19] =	ssyncadd.s32 $0xFFFFC000  }
0xb2: {  	_ =	swait.ge [sflag:s18], $0x4000  }
0xb3: {  	[sflag:s18] =	ssyncset.done $0x0  }
0xb4: {  	s24 =	sadd.s32 $0x1, s24;
	[sflag:s18] =	ssyncadd.s32 $0xFFFFC000  }
0xb5: {  	s25 =	simm.s32 @!p0 $0x1C04;
	p1 =	sne.s32 s24, s10;
	[bflag:$0x0] =	sbarrier.arrive $0xFFFF  }
0xb6: {  	[hbm:s9], [sflag:s25] =	dma.local @!p0 [spmem:s11], $0x27900  }
.Ltmp2:
0xb7: {  	_ = 	snop;
	(pc) =	sbr.rel @p1 .LBB2_1-.Ltmp2, $4  }
0xb8: {  	s25 =	simm.s32 @!p0 $0x4  }
0xb9: {  	_ =	swait.ge @!p0 [sflag:s25], $0x27900  }
0xba: {  	[sflag:s25] =	ssyncset.done @!p0 $0x0  }
0xbb: {  	[sflag:s25] =	ssyncadd.s32 @!p0 $0xFFFD8700  }
0xbc: {  	_ =	sfence.sel $0x180000  }
0xbd: {  	[bflag:$0x0] =	sbarrier.arrive $0xFFFF  }
0xbe: {  	_ =	strace $0x9000004A  }
0xbf: {  	s0 =	sadd.s32 @!p0 $0x100000, s0;
	[bflag:$0x2] =	sbarrier.arrive $0xFFFF  }
0xc0: {  	[sflag:s0] =	ssyncadd.tile.s32 @!p0 $0x1;
	_ =	shalt  }
.Lfunc_end2:
_tile_overlayer_lowered:
.L_overlay_start_2:
0xc1: {  	(tag) =	ssettag $0x2  }
0xc2: {  	s0 =	rddreg [dreg:$0x0];
	s2 =	stileid.u32  }
0xc3: {  	s1 =	rddreg [dreg:$0x1];
	p0 =	sne.s32 s2, $0x0  }
0xc4: {  	s3 =	rddreg [dreg:$0x2];
	[bflag:$0x3] =	sbarrier.arrive $0xFFFF;
	s2 =	simm.s32 @!p0 $0x1C04  }
0xc5: {  	[timem:s3], [sflag:s2] =	dma.local @!p0 [hbm:s0], s1  }
0xc6: {  	s0 =	simm.s32 @!p0 $0x4  }
0xc7: {  	_ =	swait.ge @!p0 [sflag:s0], s1  }
0xc8: {  	s1 =	ssub.s32 @!p0 $0x0, s1;
	[sflag:s0] =	ssyncset.done @!p0 $0x0  }
0xc9: {  	[sflag:s0] =	ssyncadd.s32 @!p0 s1  }
0xca: {  	[bflag:$0x3] =	sbarrier.arrive $0xFFFF  }
0xcb: {  	_ =	shalt  }

// kernel: kernel.8.cloned.1.call-start
scs
__scs_entry_jumppad:
0x0: {  	(pc) =	sbr.rel $0x88, $3  }
0x1: {  	(tag) =	ssettag $0x0;
	lr =	simm.s32 $0x1  }
0x2: {  	[smem:$0x3F9C] =	sst lr;
	_ =	strace $0xD0000000  }
0x3: {  	_ = 	snop  }
0x4: {  	_ = 	snop  }
0x5: {  	_ = 	snop  }
0x6: {  	_ = 	snop  }
0x7: {  	_ = 	snop  }
__scs_overlays_trampoline_lowered:
0x8: {  	[smem:$0x3FAB] =	sst s0  }
0x9: {  	[smem:$0x3FAC] =	sst s1  }
0xa: {  	[smem:$0x3FAD] =	sst s2  }
0xb: {  	[smem:$0x3FAE] =	sst s3  }
0xc: {  	[smem:$0x3FAF] =	sst s4  }
0xd: {  	[smem:$0x3FB0] =	sst s5  }
0xe: {  	[smem:$0x3FB1] =	sst s6  }
0xf: {  	[smem:$0x3FB2] =	sst s7  }
0x10: {  	[smem:$0x3FB3] =	sst s8  }
0x11: {  	[smem:$0x3FB4] =	sst s9;
	s0 =	simm.s32 @!p0 $0x0  }
0x12: {  	s1 =	sld [smem:$0x3F9A];
	s0 =	simm.s32 @p0 $0x1  }
0x13: {  	[smem:$0x3FB5] =	sst s0;
	s0 =	simm.s32 @!p1 $0x0  }
0x14: {  	s2 =	sld [smem:$0x3F99];
	s0 =	simm.s32 @p1 $0x1  }
0x15: {  	[smem:$0x3FB6] =	sst s0;
	s0 =	simm.s32 @!p2 $0x0  }
0x16: {  	s3 =	sld [smem:$0x3FDB];
	s0 =	simm.s32 @p2 $0x1  }
0x17: {  	s4 =	simm.s32 $0x1BF5;
	[smem:$0x3FB8] =	sst s0  }
0x18: {  	s0 =	sld [smem:$0x3F9B];
	_ =	swait.ge [sflag:s4], $0x0  }
0x19: {  	s7 =	sld [smem:$0x3F9C]  }
0x1a: {  	s8 =	sadd.s32 $0xFFFFE003, lr  }
0x1b: {  	s9 =	sadd.s32 $0xFFFFFEF7, lr;
	s5 =	simm.s32 $0xFFFFFFFF;
	p2 =	slt.u32 s8, $0xFFFFF086  }
0x1c: {  	p1 =	slt.u32 s9, $0xF7A;
	s5 =	simm.s32 @!p2 $0x0  }
0x1d: {  	s5 =	simm.s32 @p1 $0x1;
	p0 =	seq.s32 s7, s2  }
0x1e: {  	s7 =	smul.u32 @!p0 $0xF7A, s2;
	p2 =	seq.s32 @!p0 s5, $0x0  }
0x1f: {  	s9 =	smul.u32 $0xF7A, s1;
	s8 =	simm.s32 @!p0 $0x1BF5;
	p2 =	por !p2, p0  }
0x20: {  	[sflag:s8] =	ssyncset.s32 @!p0 $0xFFFFF086;
	s6 =	sadd.s32 @!p0 s3, s7;
	s7 =	simm.s32 @!p0 $0x108  }
0x21: {  	s3 =	sadd.s32 s3, s9;
	s6 =	sadd.s32 @!p0 $0x88, s6;
	s7 =	simm.s32 @p2 $0x1082  }
0x22: {  	[simem:s7], [sflag:s8] =	dma.local @!p0 [hbm:s6], $0xF7A  }
0x23: {  	s9 =	sor.u32 $0xD0000000, s2;
	s6 =	simm.s32 $0x108;
	_ =	swait.ge @!p0 [sflag:s8], $0x0  }
0x24: {  	s3 =	sadd.s32 $0x88, s3;
	s6 =	simm.s32 @!p1 $0x1082;
	[sflag:s4] =	ssyncset.s32 $0xFFFFF086  }
0x25: {  	[simem:s6], [sflag:s4] =	dma.local [hbm:s3], $0xF7A  }
0x26: {  	[smem:$0x3F9C] =	sst s1;
	(tag) =	ssettag s2;
	_ =	strace s9  }
0x27: {  	s1 =	sld [smem:$0x3FAC]  }
0x28: {  	s2 =	sld [smem:$0x3FAD]  }
0x29: {  	s4 =	sld [smem:$0x3FAF]  }
0x2a: {  	p0 =	seq.s32 s5, $0x0;
	s5 =	sld [smem:$0x3FB0]  }
0x2b: {  	s6 =	sld [smem:$0x3FB1]  }
0x2c: {  	s7 =	sld [smem:$0x3FB2]  }
0x2d: {  	s3 =	simm.s32 $0x108;
	s8 =	sld [smem:$0x3FB3]  }
0x2e: {  	s3 =	simm.s32 @!p0 $0x1082;
	s9 =	sld [smem:$0x3FB4]  }
0x2f: {  	lr =	sadd.s32 s0, s3;
	s0 =	sld [smem:$0x3FAB]  }
0x30: {  	s3 =	sld [smem:$0x3FAE]  }
0x31: {  	[smem:$0x3FB7] =	sst s10  }
0x32: {  	s10 =	sld [smem:$0x3FB5];
	_ =	sdelay $0x3  }
0x33: {  	p0 =	seq.s32 s10, $0x1;
	s10 =	sld [smem:$0x3FB7];
	_ =	sdelay $0x3  }
0x34: {  	[smem:$0x3FB7] =	sst s10  }
0x35: {  	s10 =	sld [smem:$0x3FB6];
	_ =	sdelay $0x3  }
0x36: {  	p1 =	seq.s32 s10, $0x1;
	s10 =	sld [smem:$0x3FB7];
	_ =	sdelay $0x3  }
0x37: {  	[smem:$0x3FB7] =	sst s10  }
0x38: {  	s10 =	sld [smem:$0x3FB8]  }
0x39: {  	_ = 	snop;
	(pc) =	sbr.ind lr, $3  }
0x3a: {  	_ = 	snop  }
0x3b: {  	_ = 	snop  }
0x3c: {  	p2 =	seq.s32 s10, $0x1;
	s10 =	sld [smem:$0x3FB7]  }
0x3d: {  	_ =	shalt  }
0x3e: {  	_ =	shalt  }
0x3f: {  	_ =	shalt  }
0x40: {  	_ =	shalt  }
0x41: {  	_ =	shalt  }
0x42: {  	_ =	shalt  }
0x43: {  	_ =	shalt  }
0x44: {  	_ =	shalt  }
0x45: {  	_ =	shalt  }
0x46: {  	_ =	shalt  }
0x47: {  	_ =	shalt  }
0x48: {  	_ =	shalt  }
0x49: {  	_ =	shalt  }
0x4a: {  	_ =	shalt  }
0x4b: {  	_ =	shalt  }
0x4c: {  	_ =	shalt  }
0x4d: {  	_ =	shalt  }
0x4e: {  	_ =	shalt  }
0x4f: {  	_ =	shalt  }
0x50: {  	_ =	shalt  }
0x51: {  	_ =	shalt  }
0x52: {  	_ =	shalt  }
0x53: {  	_ =	shalt  }
0x54: {  	_ =	shalt  }
0x55: {  	_ =	shalt  }
0x56: {  	_ =	shalt  }
0x57: {  	_ =	shalt  }
0x58: {  	_ =	shalt  }
0x59: {  	_ =	shalt  }
0x5a: {  	_ =	shalt  }
0x5b: {  	_ =	shalt  }
0x5c: {  	_ =	shalt  }
0x5d: {  	_ =	shalt  }
0x5e: {  	_ =	shalt  }
0x5f: {  	_ =	shalt  }
0x60: {  	_ =	shalt  }
0x61: {  	_ =	shalt  }
0x62: {  	_ =	shalt  }
0x63: {  	_ =	shalt  }
0x64: {  	_ =	shalt  }
0x65: {  	_ =	shalt  }
0x66: {  	_ =	shalt  }
0x67: {  	_ =	shalt  }
0x68: {  	_ =	shalt  }
0x69: {  	_ =	shalt  }
0x6a: {  	_ =	shalt  }
0x6b: {  	_ =	shalt  }
0x6c: {  	_ =	shalt  }
0x6d: {  	_ =	shalt  }
0x6e: {  	_ =	shalt  }
0x6f: {  	_ =	shalt  }
0x70: {  	_ =	shalt  }
0x71: {  	_ =	shalt  }
0x72: {  	_ =	shalt  }
0x73: {  	_ =	shalt  }
0x74: {  	_ =	shalt  }
0x75: {  	_ =	shalt  }
0x76: {  	_ =	shalt  }
0x77: {  	_ =	shalt  }
0x78: {  	_ =	shalt  }
0x79: {  	_ =	shalt  }
0x7a: {  	_ =	shalt  }
0x7b: {  	_ =	shalt  }
0x7c: {  	_ =	shalt  }
0x7d: {  	_ =	shalt  }
0x7e: {  	_ =	shalt  }
0x7f: {  	_ =	shalt  }
0x80: {  	_ =	shalt  }
0x81: {  	_ =	shalt  }
0x82: {  	_ =	shalt  }
0x83: {  	_ =	shalt  }
0x84: {  	_ =	shalt  }
0x85: {  	_ =	shalt  }
0x86: {  	_ =	shalt  }
0x87: {  	_ =	shalt  }
.Lfunc_end0:
.L_simem_size_0:
called_computation.1_lowered:
.L_overlay_start_0:
0x88: {  	s2 =	sld [smem:$0x3FD9]  }
0x89: {  	s3 =	sld [smem:$0x3FFE];
	_ =	sdelay $0x1  }
0x8a: {  	s1 =	srdreg.scid  }
0x8b: {  	s0 =	sand.u32 $0x1, s1  }
0x8c: {  	s16 =	sshll.u32 s0, $0xA;
	s2 =	sadd.s32 s3, s2  }
0x8d: {  	s2 =	sadd.s32 s2, s16  }
0x8e: {  	[smem:$0x3FC3] =	sst s2  }
0x8f: {  	_ = 	snop  }
0x90: {  	(tm) =	ssettm $0x1  }
0x91: {  	s17 =	sld [smem:$0x3FFB];
	_ =	sdelay $0x3  }
0x92: {  	_ =	strace s17  }
0x93: {  	s2 =	sld [smem:$0x3FFC];
	_ =	sdelay $0x3  }
0x94: {  	_ =	strace s2  }
0x95: {  	s2 =	sld [smem:$0x3FFD];
	_ =	sdelay $0x3  }
0x96: {  	_ =	strace s2  }
0x97: {  	_ =	strace $0x8FFFFFFF  }
0x98: {  	s18 =	sld [smem:$0x3FDB];
	_ =	sdelay $0x1  }
0x99: {  	s19 =	simm.s32 $_scs_section_size  }
0x9a: {  	s4 =	simm.s32 $_size__tile_overlayer_lowered;
	s5 =	simm.s32 $_tile_overlayer_lowered  }
0x9b: {  	s22 =	simm.s32 $0x1BFF;
	s21 =	sshll.u32 s5, $0x1;
	s2 =	sadd.s32 s19, s18  }
0x9c: {  	s6 =	simm.s32 $0x0;
	s20 =	sshll.u32 s4, $0x1;
	s4 =	sadd.s32 s21, s2  }
0x9d: {  	[timem:s6], [sflag:s22] =	dma.local [hbm:s4], s20  }
0x9e: {  	_ =	swait.ge [sflag:s22], s20  }
0x9f: {  	s3 =	ssub.s32 $0x0, s20;
	[sflag:s22] =	ssyncset.done $0x0  }
0xa0: {  	[sflag:s22] =	ssyncadd.s32 s3;
	_ =	sdelay $0x1  }
0xa1: {  	s23 =	simm.s32 $0x1B8B  }
0xa2: {  	_ =	swait.ge [sflag:s23], $0x1  }
0xa3: {  	[sflag:s23] =	ssyncset.done $0x0  }
0xa4: {  	s25 =	simm.s32 $0x1B8E;
	s24 =	sld [smem:$0x3FFE];
	[sflag:s23] =	ssyncadd.s32 $0xFFFFFFFF  }
0xa5: {  	s26 =	simm.s32 $execute0_lowered;
	[smem:$0x3FD2] =	sst s25  }
0xa6: {  	s4 =	sshll.u32 s26, $0x1;
	_ =	strace $0x80000046;
	[dreg:$0x1] =	wrdreg $0xFFFFFFFF  }
0xa7: {  	s28 =	simm.s32 $_size_execute0_lowered;
	s2 =	sadd.s32 s2, s4;
	[dreg:$0x0] =	wrdreg $0x0  }
0xa8: {  	s4 =	sshll.u32 s28, $0x1;
	[dreg:$0x2] =	wrdreg s2  }
0xa9: {  	[dreg:$0x3] =	wrdreg s4  }
0xaa: {  	[dreg:$0x4] =	wrdreg $0xC0  }
0xab: {  	_ =	task [dreg:s6], $0x5FFFF  }
0xac: {  	[dreg:$0x1] =	wrdreg $0xFFFFFFFF  }
0xad: {  	[dreg:$0x0] =	wrdreg $0x60  }
0xae: {  	[dreg:$0x2] =	wrdreg s24  }
0xaf: {  	[dreg:$0x3] =	wrdreg $0xA  }
0xb0: {  	_ =	task.clear_ibuf [dreg:s6], $0x4FFFF;
	_ =	strace $0x90000046  }
0xb1: {  	s29 =	simm.s32 $0xA;
	_ =	strace $0x80000048  }
0xb2: {  	_ =	swait.ge [sflag:s29], $0x1  }
0xb3: {  	[sflag:s29] =	ssyncadd.s32 $0xFFFFFFFF  }
0xb4: {  	_ =	strace $0x90000048  }
0xb5: {  	_ =	sfence  }
0xb6: {  	s30 =	sld [smem:$0x0];
	_ =	sdelay $0x2  }
0xb7: {  	s31 =	sshll.u32 s1, $0xD;
	s1 =	sshrl.u32 s1, $0x2  }
0xb8: {  	s3 =	sand.u32 $0x4000, s31;
	s1 =	sadd.s32 s1, s30  }
0xb9: {  	s0 =	sor.u32 s3, s0;
	s1 =	sshll.u32 s1, $0x11  }
0xba: {  	s0 =	sor.u32 s1, s0  }
0xbb: {  	s0 =	sadd.s32 $0x8F2B, s0  }
0xbc: {  	[sflag:s0] =	ssyncadd.remote.s32 $0x1  }
0xbd: {  	_ =	sfence.sel $0xFFFF  }
0xbe: {  	[dreg:$0x0] =	wrdreg $0xFFFFFFFF;
	(pc) =	sbr.abs _section_cstart, $3  }
0xbf: {  	[dreg:$0x1] =	wrdreg $0xFFFFFFFF  }
0xc0: {  	_ =	task.clear_ibuf [dreg:s6], $0x2FFFF;
	_ =	strace $0x9FFFFFFF  }
0xc1: {  	(tm) =	ssettm $0x7FFFFFFF  }
tec
execute0_lowered:
.L_overlay_start_1:
0x0: {  	(tag) =	ssettag $0x1  }
0x1: {  	s0 =	stileid.u32  }
0x2: {  	s3 =	rddreg [dreg:$0x0];
	s4 =	srdreg.scid  }
0x3: {  	s1 =	rddreg [dreg:$0x1];
	s9 =	simm.s32 $0x2800;
	s2 =	sshrl.u32 s0, $0x3  }
0x4: {  	s6 =	sand.u32 $0x1, s4;
	s28 =	sshll.u32 s0, $0x7;
	s5 =	smul.u32 $0x14000, s2  }
0x5: {  	s2 =	simm.s32 $0x0;
	s7 =	smul.u32 $0x28000, s6;
	s4 =	sand.u32 $0x380, s28  }
0x6: {  	s30 =	ssub.s32 $0x2, s6;
	s6 =	sshll.u32 s6, $0x7;
	[smem:$0x7FF] =	sst s2  }
0x7: {  	s31 =	sshrl.u32 s30, $0x1;
	s10 =	sor.u32 $0x40, s6;
	s6 =	simm.s32 $0x80  }
0x8: {  	_ =	strace $0x80000047;
	s8 =	sor.u32 s4, s5;
	s5 =	sadd.s32 s7, s5  }
0x9: {  	v2 =	vmov s10;
	s10 =	simm.s32 $0x0;
	s29 =	sshrl.u32 s8, $0x3;
	s4 =	sor.u32 s4, s5  }
0xa: {  	s5 =	ssub.s32 s30, s31;
	s8 =	simm.s32 $0x1;
	s4 =	sshrl.u32 s4, $0x3  }
0xb: {  	s7 =	sadd.s32 s29, s3;
	s5 =	smax.u32 s5, $0x1;
	s4 =	sadd.s32 s4, s3  }
0xc: {  	v0 =	vimm.f32 $0.0e+00;
	v1 =	vimm.f32 $1.000000000e+00;
	s3 =	sadd.s32 $0xB000, s7;
	s7 =	simm.s32 $0x400;
	s4 =	sadd.s32 $0x10000, s4  }
.LBB2_1:
0xd: {  	[tilespmem:s2], [sflag:$0x1] =	stream.strided.gather [hbm4b:s3+s6], $0x2800, s7, s6, $0x38;
	[tilespmem:$0x5000] =	vst v63  }
0xe: {  	_ =	swait.ge [sflag:s8], $0x2800  }
0xf: {  	[sflag:s8] =	ssyncset.done $0x0  }
0x10: {  	s11 =	simm.s32 $0x0;
	[sflag:s8] =	ssyncadd.s32 $0xFFFFD800  }
.LBB2_2:
0x11: {  	p0 =	sne.s32 s11, $0x9E00  }
.Ltmp0:
0x12: {  	_ = 	snop;
	(pc) =	sbr.rel @p0 .LBB2_2-.Ltmp0, $3  }
0x13: {  	_ =	sdelay $0x1  }
0x14: {  	s12 =	sshra.s32 s11, $0x2  }
0x15: {  	s11 =	sadd.s32 $0x40, s11;
	[tilespmem:s12+$0x2800] =	vst v0  }
0x16: {  	s11 =	simm.s32 $0x0  }
.LBB2_4:
0x17: {  	s12 =	sshra.s32 s11, $0x2  }
0x18: {  	v3 =	vld.idx.msk [tilespmem:v2+s12+$0xFFFFFFC0 ss:$0x1], $0xffff;
	_ =	sdelay $0x7  }
0x19: {  	[tilespmem:v3+s9+$0x0] =	vst.idx.add.f32.msk $0xffff, v1  }
0x1a: {  	v3 =	vld.idx.msk [tilespmem:v2+s12+$0xFFFFFFD0 ss:$0x1], $0xffff;
	_ =	sdelay $0x7  }
0x1b: {  	[tilespmem:v3+s9+$0x0] =	vst.idx.add.f32.msk $0xffff, v1  }
0x1c: {  	v3 =	vld.idx.msk [tilespmem:v2+s12+$0xFFFFFFE0 ss:$0x1], $0xffff;
	_ =	sdelay $0x7  }
0x1d: {  	[tilespmem:v3+s9+$0x0] =	vst.idx.add.f32.msk $0xffff, v1  }
0x1e: {  	v3 =	vld.idx.msk [tilespmem:v2+s12+$0xFFFFFFF0 ss:$0x1], $0xffff;
	_ =	sdelay $0x7  }
0x1f: {  	[tilespmem:v3+s9+$0x0] =	vst.idx.add.f32.msk $0xffff, v1  }
0x20: {  	v3 =	vld.idx.msk [tilespmem:v2+s12+$0x0 ss:$0x1], $0xffff;
	_ =	sdelay $0x7  }
0x21: {  	[tilespmem:v3+s9+$0x0] =	vst.idx.add.f32.msk $0xffff, v1  }
0x22: {  	v3 =	vld.idx.msk [tilespmem:v2+s12+$0x10 ss:$0x1], $0xffff;
	_ =	sdelay $0x7  }
0x23: {  	[tilespmem:v3+s9+$0x0] =	vst.idx.add.f32.msk $0xffff, v1  }
0x24: {  	v3 =	vld.idx.msk [tilespmem:v2+s12+$0x20 ss:$0x1], $0xffff;
	_ =	sdelay $0x7  }
0x25: {  	[tilespmem:v3+s9+$0x0] =	vst.idx.add.f32.msk $0xffff, v1  }
0x26: {  	v3 =	vld.idx.msk [tilespmem:v2+s12+$0x30 ss:$0x1], $0xffff;
	_ =	sdelay $0x2  }
0x27: {  	p0 =	sne.s32 s11, $0x9C00  }
.Ltmp1:
0x28: {  	_ = 	snop;
	(pc) =	sbr.rel @p0 .LBB2_4-.Ltmp1, $2  }
0x29: {  	_ =	sdelay $0x2  }
0x2a: {  	s11 =	sadd.s32 $0x400, s11;
	[tilespmem:v3+s9+$0x0] =	vst.idx.add.f32.msk $0xffff, v1  }
0x2b: {  	s10 =	sadd.s32 $0x1, s10  }
0x2c: {  	p0 =	sne.s32 s10, s5  }
.Ltmp2:
0x2d: {  	_ = 	snop;
	(pc) =	sbr.rel @p0 .LBB2_1-.Ltmp2, $4  }
0x2e: {  	[hbm4b:s4+s6] =	stream.strided.scatter [tilespmem:s9], [sflag:$0x1], $0x2800, s7, s6, $0x38;
	[tilespmem:$0x5000] =	vst v63  }
0x2f: {  	_ =	swait.ge [sflag:s8], $0x2800  }
0x30: {  	[sflag:s8] =	ssyncset.done $0x0  }
0x31: {  	[sflag:s8] =	ssyncadd.s32 $0xFFFFD800  }
0x32: {  	_ =	sfence.sel $0x180000  }
0x33: {  	[bflag:$0x0] =	sbarrier.arrive $0xFFFF  }
0x34: {  	p0 =	sne.s32 s0, $0x0;
	_ =	strace $0x90000047  }
0x35: {  	s0 =	sadd.s32 @!p0 $0x100000, s1;
	[bflag:$0x2] =	sbarrier.arrive $0xFFFF  }
0x36: {  	[sflag:s0] =	ssyncadd.tile.s32 @!p0 $0x1;
	_ =	shalt  }
.Lfunc_end2:
_tile_overlayer_lowered:
.L_overlay_start_2:
0x37: {  	(tag) =	ssettag $0x2  }
0x38: {  	s0 =	rddreg [dreg:$0x0];
	s2 =	stileid.u32  }
0x39: {  	s1 =	rddreg [dreg:$0x1];
	p0 =	sne.s32 s2, $0x0  }
0x3a: {  	s3 =	rddreg [dreg:$0x2];
	[bflag:$0x3] =	sbarrier.arrive $0xFFFF;
	s2 =	simm.s32 @!p0 $0x1C01  }
0x3b: {  	[timem:s3], [sflag:s2] =	dma.local @!p0 [hbm:s0], s1  }
0x3c: {  	s0 =	simm.s32 @!p0 $0x1  }
0x3d: {  	_ =	swait.ge @!p0 [sflag:s0], s1  }
0x3e: {  	s1 =	ssub.s32 @!p0 $0x0, s1;
	[sflag:s0] =	ssyncset.done @!p0 $0x0  }
0x3f: {  	[sflag:s0] =	ssyncadd.s32 @!p0 s1  }
0x40: {  	[bflag:$0x3] =	sbarrier.arrive $0xFFFF  }
0x41: {  	_ =	shalt  }

</sc_bundles>
